<compile_context>
chip_gen: v7x
topology: tpu7x:2x2x1
jax: 0.10.2.dev20260603
libtpu: 0.0.44.dev20260713+nightly
codegen_flags: <defaults>
</compile_context>

<pallas_src>
import functools

import jax
import jax.numpy as jnp
from jax import lax
from jax.experimental import pallas as pl
from jax.experimental.pallas import tpu as pltpu
from jax.experimental.pallas import tpu_sc as plsc

N = 10000
E = 160000
D = 256
G = 128
DH = D // 2

NC, NS = 2, 16
NW = NC * NS

KE = 128
E_PAD = 163840
NPAD = 10240
ROWS_PT = NPAD // NS
DEG_PT = 640
DEG_PAD = DEG_PT * NS

KA = E_PAD // NW


def _deg_body(col_hbm, zeros_hbm, ones_hbm, out_hbm, colbuf, onesbuf, acc_sh, sem):
    c = lax.axis_index("c")
    s = lax.axis_index("s")
    wid = c * NS + s
    pltpu.sync_copy(zeros_hbm, acc_sh.at[pl.ds(s * DEG_PT, DEG_PT)])
    pltpu.sync_copy(ones_hbm, onesbuf)
    pltpu.sync_copy(col_hbm.at[pl.ds(wid * KA, KA)], colbuf)
    plsc.subcore_barrier()
    pltpu.sync_copy(onesbuf, acc_sh.at[colbuf], add=True)
    plsc.subcore_barrier()

    @pl.when(c == 0)
    def _():
        pltpu.sync_copy(acc_sh.at[pl.ds(s * DEG_PT, DEG_PT)],
                        out_hbm.at[0, pl.ds(s * DEG_PT, DEG_PT)])

    @pl.when(c == 1)
    def _():
        pltpu.sync_copy(acc_sh.at[pl.ds(s * DEG_PT, DEG_PT)],
                        out_hbm.at[1, pl.ds(s * DEG_PT, DEG_PT)])


@functools.cache
def _deg_call():
    mesh = plsc.VectorSubcoreMesh(core_axis_name="c", subcore_axis_name="s",
                                  num_cores=NC, num_subcores=NS)
    return pl.kernel(
        _deg_body,
        out_type=jax.ShapeDtypeStruct((2, DEG_PAD), jnp.float32),
        mesh=mesh,
        scratch_types=[
            pltpu.VMEM((KA,), jnp.int32),
            pltpu.VMEM((KA,), jnp.float32),
            pltpu.VMEM_SHARED((DEG_PAD,), jnp.float32),
            pltpu.SemaphoreType.DMA,
        ],
    )


NCH = E_PAD // NS // KE
PH = 2
NCHP = NCH // PH


def _copy_idx(src, off, dst):
    for k in range(KE // 16):
        dst[pl.ds(k * 16, 16)] = src[pl.ds(off + k * 16, 16)]


def _scatter_body(row_hbm, col_hbm, y0_hbm, y1_hbm, zrows_hbm, z0_hbm, z1_hbm,
                  rowsb, colsb, colb0, colb1, gbuf0, gbuf1, acc_sh, sem0, sem1):
    c = lax.axis_index("c")
    s = lax.axis_index("s")
    ept = E_PAD // NS
    base = s * ept
    pltpu.sync_copy(zrows_hbm, acc_sh.at[pl.ds(s * ROWS_PT, ROWS_PT), :])
    plsc.subcore_barrier()

    def run(y_hbm):
        def phase(ph, carry0):
            pbase = pl.multiple_of(base + ph * NCHP * KE, 8)
            pltpu.sync_copy(row_hbm.at[pl.ds(pbase, NCHP * KE)], rowsb)
            pltpu.sync_copy(col_hbm.at[pl.ds(pbase, NCHP * KE)], colsb)
            pltpu.async_copy(y_hbm.at[rowsb.at[pl.ds(0, KE)]], gbuf0, sem0)

            def pair(j, carry):
                o0 = pl.multiple_of(2 * j * KE, 128)
                o1 = pl.multiple_of((2 * j + 1) * KE, 128)
                o2 = pl.multiple_of((2 * j + 2) * KE, 128)
                pltpu.async_copy(y_hbm.at[rowsb.at[pl.ds(o1, KE)]], gbuf1, sem1)
                _copy_idx(colsb, o0, colb0)
                pltpu.make_async_copy(y_hbm.at[rowsb.at[pl.ds(o0, KE)]],
                                      gbuf0, sem0).wait()
                pltpu.sync_copy(gbuf0, acc_sh.at[colb0], add=True)

                @pl.when(j < NCHP // 2 - 1)
                def _():
                    pltpu.async_copy(y_hbm.at[rowsb.at[pl.ds(o2, KE)]],
                                     gbuf0, sem0)

                _copy_idx(colsb, o1, colb1)
                pltpu.make_async_copy(y_hbm.at[rowsb.at[pl.ds(o1, KE)]],
                                      gbuf1, sem1).wait()
                pltpu.sync_copy(gbuf1, acc_sh.at[colb1], add=True)
                return carry

            lax.fori_loop(0, NCHP // 2, pair, 0)
            return carry0

        lax.fori_loop(0, PH, phase, 0)

    @pl.when(c == 0)
    def _():
        run(y0_hbm)

    @pl.when(c == 1)
    def _():
        run(y1_hbm)

    plsc.subcore_barrier()

    @pl.when(c == 0)
    def _():
        pltpu.sync_copy(acc_sh.at[pl.ds(s * ROWS_PT, ROWS_PT), :],
                        z0_hbm.at[pl.ds(s * ROWS_PT, ROWS_PT), :])

    @pl.when(c == 1)
    def _():
        pltpu.sync_copy(acc_sh.at[pl.ds(s * ROWS_PT, ROWS_PT), :],
                        z1_hbm.at[pl.ds(s * ROWS_PT, ROWS_PT), :])


@functools.cache
def _scatter_call():
    mesh = plsc.VectorSubcoreMesh(core_axis_name="c", subcore_axis_name="s",
                                  num_cores=NC, num_subcores=NS)
    return pl.kernel(
        _scatter_body,
        out_type=[jax.ShapeDtypeStruct((NPAD, DH), jnp.float32),
                  jax.ShapeDtypeStruct((NPAD, DH), jnp.float32)],
        mesh=mesh,
        scratch_types=[
            pltpu.VMEM((NCHP * KE,), jnp.int32),
            pltpu.VMEM((NCHP * KE,), jnp.int32),
            pltpu.VMEM((KE,), jnp.int32),
            pltpu.VMEM((KE,), jnp.int32),
            pltpu.VMEM((KE, DH), jnp.float32),
            pltpu.VMEM((KE, DH), jnp.float32),
            pltpu.VMEM_SHARED((NPAD, DH), jnp.float32),
            pltpu.SemaphoreType.DMA,
            pltpu.SemaphoreType.DMA,
        ],
    )


BV = 2000


def _mm_body(dd_ref, v_ref, w_ref, y0_ref, y1_ref):
    dis = lax.rsqrt(dd_ref[:, 0:1] + dd_ref[:, 1:2] + 1.0)
    x = jnp.dot(v_ref[...].astype(jnp.bfloat16), w_ref[...].astype(jnp.bfloat16),
                preferred_element_type=jnp.float32)
    y = x * dis
    y0_ref[...] = y[:, :DH]
    y1_ref[...] = y[:, DH:]


def _mm_call(dd, v, W):
    return pl.pallas_call(
        _mm_body,
        grid=(N // BV,),
        in_specs=[
            pl.BlockSpec((BV, 2), lambda i: (i, 0)),
            pl.BlockSpec((BV, D), lambda i: (i, 0)),
            pl.BlockSpec((D, D), lambda i: (0, 0)),
        ],
        out_specs=[
            pl.BlockSpec((BV, DH), lambda i: (i, 0)),
            pl.BlockSpec((BV, DH), lambda i: (i, 0)),
        ],
        out_shape=[jax.ShapeDtypeStruct((N, DH), jnp.float32),
                   jax.ShapeDtypeStruct((N, DH), jnp.float32)],
    )(dd, v, W)


def _pool_body(batch_ref, dd_ref, z0_ref, z1_ref, y0_ref, y1_ref,
               b_ref, out_ref, cnt_ref):
    i = pl.program_id(0)

    @pl.when(i == 0)
    def _():
        out_ref[...] = jnp.zeros_like(out_ref)
        cnt_ref[...] = jnp.zeros_like(cnt_ref)

    dis = lax.rsqrt(dd_ref[:, 0:1] + dd_ref[:, 1:2] + 1.0)
    h0 = jnp.maximum(dis * (z0_ref[...] + y0_ref[...]) + b_ref[:, :DH], 0.0)
    h1 = jnp.maximum(dis * (z1_ref[...] + y1_ref[...]) + b_ref[:, DH:], 0.0)
    bt = batch_ref[0]
    pt = (lax.broadcasted_iota(jnp.int32, (G, BV), 0) == bt).astype(jnp.bfloat16)
    out_ref[:, :DH] += jnp.dot(pt, h0.astype(jnp.bfloat16),
                               preferred_element_type=jnp.float32)
    out_ref[:, DH:] += jnp.dot(pt, h1.astype(jnp.bfloat16),
                               preferred_element_type=jnp.float32)
    cnt_ref[...] += jnp.sum(pt.astype(jnp.float32), axis=1, keepdims=True)

    @pl.when(i == pl.num_programs(0) - 1)
    def _():
        out_ref[...] = out_ref[...] / jnp.maximum(cnt_ref[...], 1.0)


def _pool_call(batch3, dd, z0, z1, y0, y1, b2):
    return pl.pallas_call(
        _pool_body,
        grid=(N // BV,),
        in_specs=[
            pl.BlockSpec((1, 1, BV), lambda i: (i, 0, 0)),
            pl.BlockSpec((BV, 2), lambda i: (i, 0)),
            pl.BlockSpec((BV, DH), lambda i: (i, 0)),
            pl.BlockSpec((BV, DH), lambda i: (i, 0)),
            pl.BlockSpec((BV, DH), lambda i: (i, 0)),
            pl.BlockSpec((BV, DH), lambda i: (i, 0)),
            pl.BlockSpec((1, D), lambda i: (0, 0)),
        ],
        out_specs=pl.BlockSpec((G, D), lambda i: (0, 0)),
        out_shape=jax.ShapeDtypeStruct((G, D), jnp.float32),
        scratch_shapes=[pltpu.VMEM((G, 1), jnp.float32)],
    )(batch3, dd, z0, z1, y0, y1, b2)


def kernel(v, e, batch, W, b):
    er = e.astype(jnp.int32).reshape(2 * E)
    row, col = er[:E], er[E:]
    npd = E_PAD - E
    prow = jnp.arange(npd, dtype=jnp.int32) % N
    pcol = N + (jnp.arange(npd, dtype=jnp.int32) % (NPAD - N))
    rowp = jnp.concatenate([row, prow])
    colp = jnp.concatenate([col, pcol])
    zeros_deg = jnp.zeros((DEG_PT,), jnp.float32)
    ones_ka = jnp.ones((KA,), jnp.float32)
    zeros_rows = jnp.zeros((ROWS_PT, DH), jnp.float32)

    degp = _deg_call()(colp, zeros_deg, ones_ka)
    dd = degp.T

    y0, y1 = _mm_call(dd, v, W)
    z0, z1 = _scatter_call()(rowp, colp, y0, y1, zeros_rows)

    batch3 = batch.astype(jnp.int32).reshape(N // BV, 1, BV)
    b2 = b.reshape(1, D)
    return _pool_call(batch3, dd, z0, z1, y0, y1, b2)

# --- scband reference (transcript-rebuilt; emitter-appended) ---
"""Pipeline reference for scband-graph-regressor-16716012716087 (READ-ONLY COPY).

The authoritative reference and input builder live on the scoring server;
editing this copy changes nothing except your own understanding.
"""

import jax, jax.numpy as jnp
import numpy as np

N_NODES = 10000
N_EDGES = 160000
D_IN = 256
D_OUT = 256
N_GRAPHS = 128

def setup_inputs(seed: int = 0) -> dict:
    key = jax.random.key(seed)
    k1, k2, k3, k4 = jax.random.split(key, 4)
    v = jax.random.normal(k1, (N_NODES, D_IN), dtype=jnp.float32)
    e = jax.random.randint(k2, (2, N_EDGES), 0, N_NODES)
    batch = jnp.sort(jax.random.randint(k3, (N_NODES,), 0, N_GRAPHS))
    # GCNConv parameters (glorot-ish init)
    W = jax.random.normal(k4, (D_IN, D_OUT), dtype=jnp.float32) * (1.0 / np.sqrt(D_IN))
    b = jnp.zeros((D_OUT,), dtype=jnp.float32)
    return {"v": v, "e": e, "batch": batch, "W": W, "b": b}

def reference(v, e, batch, W, b):
    # GCNConv with add_self_loops=True, normalize=True (PyG semantics)
    N = v.shape[0]
    loop = jnp.arange(N, dtype=e.dtype)
    e2 = jnp.concatenate([e, jnp.stack([loop, loop])], axis=1)
    row, col = e2[0], e2[1]  # source -> target
    ew = jnp.ones((e2.shape[1],), dtype=v.dtype)
    deg = jax.ops.segment_sum(ew, col, num_segments=N)
    deg_inv_sqrt = jnp.where(deg > 0, 1.0 / jnp.sqrt(deg), 0.0)
    norm = deg_inv_sqrt[row] * deg_inv_sqrt[col]
    x = v @ W
    msgs = x[row] * norm[:, None]
    agg = jax.ops.segment_sum(msgs, col, num_segments=N)
    out = agg + b
    h = jax.nn.relu(out)
    # global_mean_pool over graphs
    cnt = jax.ops.segment_sum(jnp.ones((N,), dtype=v.dtype), batch, num_segments=N_GRAPHS)
    s = jax.ops.segment_sum(h, batch, num_segments=N_GRAPHS)
    return s / jnp.maximum(cnt, 1.0)[:, None]

if __name__ == "__main__":
    import jax
    _d = setup_inputs()
    print(jax.jit(kernel)(*tuple(_d.values())))

</pallas_src>

<mosaic_0001>
#map = affine_map<(d0, d1) -> (0)>
#map1 = affine_map<(d0, d1) -> (0, 0)>
module attributes {stable_mosaic.version = 14 : i64} {
  func.func @_scatter_body(%arg0: i32, %arg1: i32, %arg2: memref<163840xi32, #tpu.memory_space<hbm>>, %arg3: memref<163840xi32, #tpu.memory_space<hbm>>, %arg4: memref<10000x128xf32, #tpu.memory_space<hbm>>, %arg5: memref<10000x128xf32, #tpu.memory_space<hbm>>, %arg6: memref<640x128xf32, #tpu.memory_space<hbm>>, %arg7: memref<10240x128xf32, #tpu.memory_space<hbm>>, %arg8: memref<10240x128xf32, #tpu.memory_space<hbm>>, %arg9: memref<5120xi32, #tpu.memory_space<vmem>>, %arg10: memref<5120xi32, #tpu.memory_space<vmem>>, %arg11: memref<128xi32, #tpu.memory_space<vmem>>, %arg12: memref<128xi32, #tpu.memory_space<vmem>>, %arg13: memref<128x128xf32, #tpu.memory_space<vmem>>, %arg14: memref<128x128xf32, #tpu.memory_space<vmem>>, %arg15: memref<10240x128xf32, #tpu.memory_space<vmem_shared>>, %arg16: memref<!tpu.dma_semaphore, #tpu.memory_space<semaphore_mem>>, %arg17: memref<!tpu.dma_semaphore, #tpu.memory_space<semaphore_mem>>) attributes {dimension_semantics = [#tpu.dimension_semantics<core_parallel>, #tpu.dimension_semantics<subcore_parallel>], iteration_bounds = array<i64: 2, 16>, scalar_prefetch = 0 : i64, scratch_operands = 9 : i64, tpu.core_type = #tpu.core_type<sc_vector_subcore>, window_params = [{transform_indices = #map}, {transform_indices = #map}, {transform_indices = #map1}, {transform_indices = #map1}, {transform_indices = #map1}, {transform_indices = #map1}, {transform_indices = #map1}]} {
    %mul3A = arith.constant 10240 : i32
    %mul3A_0 = arith.muli %arg1, %mul3A : i32
    %mul3A_1 = arith.constant 640 : i32
    %mul3A_2 = arith.muli %arg1, %mul3A_1 : i32
    "tpu.region"() ({
      %run_scoped3A = tpu.sem_alloc : memref<!tpu.dma_semaphore, #tpu.memory_space<semaphore_mem>>
      %dma_start3A = arith.constant 0 : i32
      %dma_start3A_21 = tpu.memref_slice %arg15[%mul3A_2, %dma_start3A] : memref<10240x128xf32, #tpu.memory_space<vmem_shared>> -> memref<640x128xf32, #tpu.memory_space<vmem_shared>>
      tpu.enqueue_dma source(%arg6 : memref<640x128xf32, #tpu.memory_space<hbm>>) target(%dma_start3A_21 : memref<640x128xf32, #tpu.memory_space<vmem_shared>>) target_semaphore(%run_scoped3A : memref<!tpu.dma_semaphore, #tpu.memory_space<semaphore_mem>>)
      %dma_wait3A = arith.constant 0 : i32
      %dma_wait3A_22 = tpu.memref_slice %arg15[%mul3A_2, %dma_wait3A] : memref<10240x128xf32, #tpu.memory_space<vmem_shared>> -> memref<640x128xf32, #tpu.memory_space<vmem_shared>>
      tpu.wait_dma2 semaphore(%run_scoped3A : memref<!tpu.dma_semaphore, #tpu.memory_space<semaphore_mem>>) src(%arg6 : memref<640x128xf32, #tpu.memory_space<hbm>>) dst(%dma_wait3A_22 : memref<640x128xf32, #tpu.memory_space<vmem_shared>>)
      tpu.yield
    }) : () -> ()
    %barrier3A = arith.constant 0 : index
    tpu.barrier barrier_id(%barrier3A)
    %eq3A = arith.constant 0 : i32
    %eq3A_3 = arith.cmpi eq, %arg0, %eq3A : i32
    %convert_element_type3A = arith.extui %eq3A_3 : i1 to i32
    %cond3A = arith.constant 0 : i32
    %cond3A_4 = arith.cmpi ne, %convert_element_type3A, %cond3A : i32
    scf.if %cond3A_4 {
      %scan3A = arith.constant 0 : i32
      %scan3A_21 = arith.constant 0 : i32
      %scan3A_22 = arith.constant 2 : i32
      %scan3A_23 = arith.addi %scan3A_21, %scan3A_22 : i32
      %scan3A_24 = arith.constant 1 : i32
      scf.for %scan3A_26 = %scan3A_21 to %scan3A_23 step %scan3A_24  : i32 {
        %mul3A_27 = arith.constant 40 : i32
        %mul3A_28 = arith.muli %scan3A_26, %mul3A_27 : i32
        %mul3A_29 = arith.constant 128 : i32
        %mul3A_30 = arith.muli %mul3A_28, %mul3A_29 : i32
        %add3A = arith.addi %mul3A_0, %mul3A_30 : i32
        %multiple_of3A = tpu.assume_multiple %add3A, 8 : i32
        "tpu.region"() ({
          %run_scoped3A = tpu.sem_alloc : memref<!tpu.dma_semaphore, #tpu.memory_space<semaphore_mem>>
          %dma_start3A_41 = tpu.memref_slice %arg2[%multiple_of3A] : memref<163840xi32, #tpu.memory_space<hbm>> -> memref<5120xi32, #tpu.memory_space<hbm>>
          %dma_start3A_42 = tpu.memref_slice %arg2[%multiple_of3A] : memref<163840xi32, #tpu.memory_space<hbm>> -> memref<5120xi32, #tpu.memory_space<hbm>>
          tpu.enqueue_dma source(%dma_start3A_42 : memref<5120xi32, #tpu.memory_space<hbm>>) target(%arg9 : memref<5120xi32, #tpu.memory_space<vmem>>) target_semaphore(%run_scoped3A : memref<!tpu.dma_semaphore, #tpu.memory_space<semaphore_mem>>)
          %dma_wait3A = tpu.memref_slice %arg2[%multiple_of3A] : memref<163840xi32, #tpu.memory_space<hbm>> -> memref<5120xi32, #tpu.memory_space<hbm>>
          %dma_wait3A_43 = tpu.memref_slice %arg2[%multiple_of3A] : memref<163840xi32, #tpu.memory_space<hbm>> -> memref<5120xi32, #tpu.memory_space<hbm>>
          tpu.wait_dma2 semaphore(%run_scoped3A : memref<!tpu.dma_semaphore, #tpu.memory_space<semaphore_mem>>) src(%dma_wait3A_43 : memref<5120xi32, #tpu.memory_space<hbm>>) dst(%arg9 : memref<5120xi32, #tpu.memory_space<vmem>>)
          tpu.yield
        }) : () -> ()
        "tpu.region"() ({
          %run_scoped3A = tpu.sem_alloc : memref<!tpu.dma_semaphore, #tpu.memory_space<semaphore_mem>>
          %dma_start3A_41 = tpu.memref_slice %arg3[%multiple_of3A] : memref<163840xi32, #tpu.memory_space<hbm>> -> memref<5120xi32, #tpu.memory_space<hbm>>
          %dma_start3A_42 = tpu.memref_slice %arg3[%multiple_of3A] : memref<163840xi32, #tpu.memory_space<hbm>> -> memref<5120xi32, #tpu.memory_space<hbm>>
          tpu.enqueue_dma source(%dma_start3A_42 : memref<5120xi32, #tpu.memory_space<hbm>>) target(%arg10 : memref<5120xi32, #tpu.memory_space<vmem>>) target_semaphore(%run_scoped3A : memref<!tpu.dma_semaphore, #tpu.memory_space<semaphore_mem>>)
          %dma_wait3A = tpu.memref_slice %arg3[%multiple_of3A] : memref<163840xi32, #tpu.memory_space<hbm>> -> memref<5120xi32, #tpu.memory_space<hbm>>
          %dma_wait3A_43 = tpu.memref_slice %arg3[%multiple_of3A] : memref<163840xi32, #tpu.memory_space<hbm>> -> memref<5120xi32, #tpu.memory_space<hbm>>
          tpu.wait_dma2 semaphore(%run_scoped3A : memref<!tpu.dma_semaphore, #tpu.memory_space<semaphore_mem>>) src(%dma_wait3A_43 : memref<5120xi32, #tpu.memory_space<hbm>>) dst(%arg10 : memref<5120xi32, #tpu.memory_space<vmem>>)
          tpu.yield
        }) : () -> ()
        %dma_start3A = arith.constant 0 : i32
        %dma_start3A_31 = tpu.memref_slice %arg9[%dma_start3A] : memref<5120xi32, #tpu.memory_space<vmem>> -> memref<128xi32, #tpu.memory_space<vmem>>
        %dma_start3A_32 = arith.constant 0 : i32
        %dma_start3A_33 = arith.constant 0 : i32
        %dma_start3A_34 = tpu.memref_slice %arg4[%dma_start3A_32, %dma_start3A_33] : memref<10000x128xf32, #tpu.memory_space<hbm>> -> memref<10000x128xf32, #tpu.memory_space<hbm>>
        tpu.enqueue_indirect_dma source(%dma_start3A_34 : memref<10000x128xf32, #tpu.memory_space<hbm>>) target(%arg13 : memref<128x128xf32, #tpu.memory_space<vmem>>) offsets(%dma_start3A_31 : memref<128xi32, #tpu.memory_space<vmem>>) semaphore(%arg16 : memref<!tpu.dma_semaphore, #tpu.memory_space<semaphore_mem>>)
        %scan3A_35 = arith.constant 0 : i32
        %scan3A_36 = arith.constant 0 : i32
        %scan3A_37 = arith.constant 20 : i32
        %scan3A_38 = arith.addi %scan3A_36, %scan3A_37 : i32
        %scan3A_39 = arith.constant 1 : i32
        scf.for %scan3A_41 = %scan3A_36 to %scan3A_38 step %scan3A_39  : i32 {
          %mul3A_42 = arith.constant 2 : i32
          %mul3A_43 = arith.muli %mul3A_42, %scan3A_41 : i32
          %mul3A_44 = arith.constant 128 : i32
          %mul3A_45 = arith.muli %mul3A_43, %mul3A_44 : i32
          %multiple_of3A_46 = tpu.assume_multiple %mul3A_45, 128 : i32
          %mul3A_47 = arith.constant 2 : i32
          %mul3A_48 = arith.muli %mul3A_47, %scan3A_41 : i32
          %add3A_49 = arith.constant 1 : i32
          %add3A_50 = arith.addi %mul3A_48, %add3A_49 : i32
          %mul3A_51 = arith.constant 128 : i32
          %mul3A_52 = arith.muli %add3A_50, %mul3A_51 : i32
          %multiple_of3A_53 = tpu.assume_multiple %mul3A_52, 128 : i32
          %mul3A_54 = arith.constant 2 : i32
          %mul3A_55 = arith.muli %mul3A_54, %scan3A_41 : i32
          %add3A_56 = arith.constant 2 : i32
          %add3A_57 = arith.addi %mul3A_55, %add3A_56 : i32
          %mul3A_58 = arith.constant 128 : i32
          %mul3A_59 = arith.muli %add3A_57, %mul3A_58 : i32
          %multiple_of3A_60 = tpu.assume_multiple %mul3A_59, 128 : i32
          %dma_start3A_61 = tpu.memref_slice %arg9[%multiple_of3A_53] : memref<5120xi32, #tpu.memory_space<vmem>> -> memref<128xi32, #tpu.memory_space<vmem>>
          %dma_start3A_62 = arith.constant 0 : i32
          %dma_start3A_63 = arith.constant 0 : i32
          %dma_start3A_64 = tpu.memref_slice %arg4[%dma_start3A_62, %dma_start3A_63] : memref<10000x128xf32, #tpu.memory_space<hbm>> -> memref<10000x128xf32, #tpu.memory_space<hbm>>
          tpu.enqueue_indirect_dma source(%dma_start3A_64 : memref<10000x128xf32, #tpu.memory_space<hbm>>) target(%arg14 : memref<128x128xf32, #tpu.memory_space<vmem>>) offsets(%dma_start3A_61 : memref<128xi32, #tpu.memory_space<vmem>>) semaphore(%arg17 : memref<!tpu.dma_semaphore, #tpu.memory_space<semaphore_mem>>)
          %add3A_65 = arith.constant 0 : i32
          %add3A_66 = arith.addi %multiple_of3A_46, %add3A_65 : i32
          %get3A = arith.index_cast %add3A_66 : i32 to index
          %get3A_67 = tpu.vector_load %arg10[%get3A] {strides = array<i32>} : memref<5120xi32, #tpu.memory_space<vmem>>, vector<16xi32>,
          %get3A_68 = vector.shape_cast %get3A_67 : vector<16xi32> to vector<16xi32>
          %swap3A = arith.constant 0 : index
          %swap3A_69 = tpu.vector_load %arg11[%swap3A] {strides = array<i32>} : memref<128xi32, #tpu.memory_space<vmem>>, vector<16xi32>,
          %swap3A_70 = vector.shape_cast %swap3A_69 : vector<16xi32> to vector<16xi32>
          %swap3A_71 = vector.shape_cast %get3A_68 : vector<16xi32> to vector<16xi32>
          tpu.vector_store %arg11[%swap3A], %swap3A_71 {strides = array<i32>} : memref<128xi32, #tpu.memory_space<vmem>>, vector<16xi32>,
          %add3A_72 = arith.constant 16 : i32
          %add3A_73 = arith.addi %multiple_of3A_46, %add3A_72 : i32
          %get3A_74 = arith.index_cast %add3A_73 : i32 to index
          %get3A_75 = tpu.vector_load %arg10[%get3A_74] {strides = array<i32>} : memref<5120xi32, #tpu.memory_space<vmem>>, vector<16xi32>,
          %get3A_76 = vector.shape_cast %get3A_75 : vector<16xi32> to vector<16xi32>
          %swap3A_77 = arith.constant 16 : index
          %swap3A_78 = tpu.vector_load %arg11[%swap3A_77] {strides = array<i32>} : memref<128xi32, #tpu.memory_space<vmem>>, vector<16xi32>,
          %swap3A_79 = vector.shape_cast %swap3A_78 : vector<16xi32> to vector<16xi32>
          %swap3A_80 = vector.shape_cast %get3A_76 : vector<16xi32> to vector<16xi32>
          tpu.vector_store %arg11[%swap3A_77], %swap3A_80 {strides = array<i32>} : memref<128xi32, #tpu.memory_space<vmem>>, vector<16xi32>,
          %add3A_81 = arith.constant 32 : i32
          %add3A_82 = arith.addi %multiple_of3A_46, %add3A_81 : i32
          %get3A_83 = arith.index_cast %add3A_82 : i32 to index
          %get3A_84 = tpu.vector_load %arg10[%get3A_83] {strides = array<i32>} : memref<5120xi32, #tpu.memory_space<vmem>>, vector<16xi32>,
          %get3A_85 = vector.shape_cast %get3A_84 : vector<16xi32> to vector<16xi32>
          %swap3A_86 = arith.constant 32 : index
          %swap3A_87 = tpu.vector_load %arg11[%swap3A_86] {strides = array<i32>} : memref<128xi32, #tpu.memory_space<vmem>>, vector<16xi32>,
          %swap3A_88 = vector.shape_cast %swap3A_87 : vector<16xi32> to vector<16xi32>
          %swap3A_89 = vector.shape_cast %get3A_85 : vector<16xi32> to vector<16xi32>
          tpu.vector_store %arg11[%swap3A_86], %swap3A_89 {strides = array<i32>} : memref<128xi32, #tpu.memory_space<vmem>>, vector<16xi32>,
          %add3A_90 = arith.constant 48 : i32
          %add3A_91 = arith.addi %multiple_of3A_46, %add3A_90 : i32
          %get3A_92 = arith.index_cast %add3A_91 : i32 to index
          %get3A_93 = tpu.vector_load %arg10[%get3A_92] {strides = array<i32>} : memref<5120xi32, #tpu.memory_space<vmem>>, vector<16xi32>,
          %get3A_94 = vector.shape_cast %get3A_93 : vector<16xi32> to vector<16xi32>
          %swap3A_95 = arith.constant 48 : index
          %swap3A_96 = tpu.vector_load %arg11[%swap3A_95] {strides = array<i32>} : memref<128xi32, #tpu.memory_space<vmem>>, vector<16xi32>,
          %swap3A_97 = vector.shape_cast %swap3A_96 : vector<16xi32> to vector<16xi32>
          %swap3A_98 = vector.shape_cast %get3A_94 : vector<16xi32> to vector<16xi32>
          tpu.vector_store %arg11[%swap3A_95], %swap3A_98 {strides = array<i32>} : memref<128xi32, #tpu.memory_space<vmem>>, vector<16xi32>,
          %add3A_99 = arith.constant 64 : i32
          %add3A_100 = arith.addi %multiple_of3A_46, %add3A_99 : i32
          %get3A_101 = arith.index_cast %add3A_100 : i32 to index
          %get3A_102 = tpu.vector_load %arg10[%get3A_101] {strides = array<i32>} : memref<5120xi32, #tpu.memory_space<vmem>>, vector<16xi32>,
          %get3A_103 = vector.shape_cast %get3A_102 : vector<16xi32> to vector<16xi32>
          %swap3A_104 = arith.constant 64 : index
          %swap3A_105 = tpu.vector_load %arg11[%swap3A_104] {strides = array<i32>} : memref<128xi32, #tpu.memory_space<vmem>>, vector<16xi32>,
          %swap3A_106 = vector.shape_cast %swap3A_105 : vector<16xi32> to vector<16xi32>
          %swap3A_107 = vector.shape_cast %get3A_103 : vector<16xi32> to vector<16xi32>
          tpu.vector_store %arg11[%swap3A_104], %swap3A_107 {strides = array<i32>} : memref<128xi32, #tpu.memory_space<vmem>>, vector<16xi32>,
          %add3A_108 = arith.constant 80 : i32
          %add3A_109 = arith.addi %multiple_of3A_46, %add3A_108 : i32
          %get3A_110 = arith.index_cast %add3A_109 : i32 to index
          %get3A_111 = tpu.vector_load %arg10[%get3A_110] {strides = array<i32>} : memref<5120xi32, #tpu.memory_space<vmem>>, vector<16xi32>,
          %get3A_112 = vector.shape_cast %get3A_111 : vector<16xi32> to vector<16xi32>
          %swap3A_113 = arith.constant 80 : index
          %swap3A_114 = tpu.vector_load %arg11[%swap3A_113] {strides = array<i32>} : memref<128xi32, #tpu.memory_space<vmem>>, vector<16xi32>,
          %swap3A_115 = vector.shape_cast %swap3A_114 : vector<16xi32> to vector<16xi32>
          %swap3A_116 = vector.shape_cast %get3A_112 : vector<16xi32> to vector<16xi32>
          tpu.vector_store %arg11[%swap3A_113], %swap3A_116 {strides = array<i32>} : memref<128xi32, #tpu.memory_space<vmem>>, vector<16xi32>,
          %add3A_117 = arith.constant 96 : i32
          %add3A_118 = arith.addi %multiple_of3A_46, %add3A_117 : i32
          %get3A_119 = arith.index_cast %add3A_118 : i32 to index
          %get3A_120 = tpu.vector_load %arg10[%get3A_119] {strides = array<i32>} : memref<5120xi32, #tpu.memory_space<vmem>>, vector<16xi32>,
          %get3A_121 = vector.shape_cast %get3A_120 : vector<16xi32> to vector<16xi32>
          %swap3A_122 = arith.constant 96 : index
          %swap3A_123 = tpu.vector_load %arg11[%swap3A_122] {strides = array<i32>} : memref<128xi32, #tpu.memory_space<vmem>>, vector<16xi32>,
          %swap3A_124 = vector.shape_cast %swap3A_123 : vector<16xi32> to vector<16xi32>
          %swap3A_125 = vector.shape_cast %get3A_121 : vector<16xi32> to vector<16xi32>
          tpu.vector_store %arg11[%swap3A_122], %swap3A_125 {strides = array<i32>} : memref<128xi32, #tpu.memory_space<vmem>>, vector<16xi32>,
          %add3A_126 = arith.constant 112 : i32
          %add3A_127 = arith.addi %multiple_of3A_46, %add3A_126 : i32
          %get3A_128 = arith.index_cast %add3A_127 : i32 to index
          %get3A_129 = tpu.vector_load %arg10[%get3A_128] {strides = array<i32>} : memref<5120xi32, #tpu.memory_space<vmem>>, vector<16xi32>,
          %get3A_130 = vector.shape_cast %get3A_129 : vector<16xi32> to vector<16xi32>
          %swap3A_131 = arith.constant 112 : index
          %swap3A_132 = tpu.vector_load %arg11[%swap3A_131] {strides = array<i32>} : memref<128xi32, #tpu.memory_space<vmem>>, vector<16xi32>,
          %swap3A_133 = vector.shape_cast %swap3A_132 : vector<16xi32> to vector<16xi32>
          %swap3A_134 = vector.shape_cast %get3A_130 : vector<16xi32> to vector<16xi32>
          tpu.vector_store %arg11[%swap3A_131], %swap3A_134 {strides = array<i32>} : memref<128xi32, #tpu.memory_space<vmem>>, vector<16xi32>,
          %dma_wait3A = tpu.memref_slice %arg9[%multiple_of3A_46] : memref<5120xi32, #tpu.memory_space<vmem>> -> memref<128xi32, #tpu.memory_space<vmem>>
          %dma_wait3A_135 = arith.constant 0 : i32
          %dma_wait3A_136 = arith.constant 0 : i32
          %dma_wait3A_137 = tpu.memref_slice %arg4[%dma_wait3A_135, %dma_wait3A_136] : memref<10000x128xf32, #tpu.memory_space<hbm>> -> memref<10000x128xf32, #tpu.memory_space<hbm>>
          tpu.wait_indirect_dma semaphore(%arg16 : memref<!tpu.dma_semaphore, #tpu.memory_space<semaphore_mem>>) src(%dma_wait3A_137 : memref<10000x128xf32, #tpu.memory_space<hbm>>) dst(%arg13 : memref<128x128xf32, #tpu.memory_space<vmem>>)
          "tpu.region"() ({
            %run_scoped3A = tpu.sem_alloc : memref<!tpu.dma_semaphore, #tpu.memory_space<semaphore_mem>>
            %dma_start3A_218 = arith.constant 0 : i32
            %dma_start3A_219 = arith.constant 0 : i32
            %dma_start3A_220 = tpu.memref_slice %arg15[%dma_start3A_218, %dma_start3A_219] : memref<10240x128xf32, #tpu.memory_space<vmem_shared>> -> memref<10240x128xf32, #tpu.memory_space<vmem_shared>>
            tpu.enqueue_indirect_dma source(%arg13 : memref<128x128xf32, #tpu.memory_space<vmem>>) target(%dma_start3A_220 : memref<10240x128xf32, #tpu.memory_space<vmem_shared>>) offsets(%arg11 : memref<128xi32, #tpu.memory_space<vmem>>) semaphore(%run_scoped3A : memref<!tpu.dma_semaphore, #tpu.memory_space<semaphore_mem>>) {add = true}
            %dma_wait3A_221 = arith.constant 0 : i32
            %dma_wait3A_222 = arith.constant 0 : i32
            %dma_wait3A_223 = tpu.memref_slice %arg15[%dma_wait3A_221, %dma_wait3A_222] : memref<10240x128xf32, #tpu.memory_space<vmem_shared>> -> memref<10240x128xf32, #tpu.memory_space<vmem_shared>>
            tpu.wait_indirect_dma semaphore(%run_scoped3A : memref<!tpu.dma_semaphore, #tpu.memory_space<semaphore_mem>>) src(%arg13 : memref<128x128xf32, #tpu.memory_space<vmem>>) dst(%dma_wait3A_223 : memref<10240x128xf32, #tpu.memory_space<vmem_shared>>)
            tpu.yield
          }) : () -> ()
          %lt3A = arith.constant 19 : i32
          %lt3A_138 = arith.cmpi slt, %scan3A_41, %lt3A : i32
          %convert_element_type3A_139 = arith.extui %lt3A_138 : i1 to i32
          %cond3A_140 = arith.constant 0 : i32
          %cond3A_141 = arith.cmpi ne, %convert_element_type3A_139, %cond3A_140 : i32
          scf.if %cond3A_141 {
            %dma_start3A_218 = tpu.memref_slice %arg9[%multiple_of3A_60] : memref<5120xi32, #tpu.memory_space<vmem>> -> memref<128xi32, #tpu.memory_space<vmem>>
            %dma_start3A_219 = arith.constant 0 : i32
            %dma_start3A_220 = arith.constant 0 : i32
            %dma_start3A_221 = tpu.memref_slice %arg4[%dma_start3A_219, %dma_start3A_220] : memref<10000x128xf32, #tpu.memory_space<hbm>> -> memref<10000x128xf32, #tpu.memory_space<hbm>>
            tpu.enqueue_indirect_dma source(%dma_start3A_221 : memref<10000x128xf32, #tpu.memory_space<hbm>>) target(%arg13 : memref<128x128xf32, #tpu.memory_space<vmem>>) offsets(%dma_start3A_218 : memref<128xi32, #tpu.memory_space<vmem>>) semaphore(%arg16 : memref<!tpu.dma_semaphore, #tpu.memory_space<semaphore_mem>>)
          } else {
          }
          %add3A_142 = arith.constant 0 : i32
          %add3A_143 = arith.addi %multiple_of3A_53, %add3A_142 : i32
          %get3A_144 = arith.index_cast %add3A_143 : i32 to index
          %get3A_145 = tpu.vector_load %arg10[%get3A_144] {strides = array<i32>} : memref<5120xi32, #tpu.memory_space<vmem>>, vector<16xi32>,
          %get3A_146 = vector.shape_cast %get3A_145 : vector<16xi32> to vector<16xi32>
          %swap3A_147 = arith.constant 0 : index
          %swap3A_148 = tpu.vector_load %arg12[%swap3A_147] {strides = array<i32>} : memref<128xi32, #tpu.memory_space<vmem>>, vector<16xi32>,
          %swap3A_149 = vector.shape_cast %swap3A_148 : vector<16xi32> to vector<16xi32>
          %swap3A_150 = vector.shape_cast %get3A_146 : vector<16xi32> to vector<16xi32>
          tpu.vector_store %arg12[%swap3A_147], %swap3A_150 {strides = array<i32>} : memref<128xi32, #tpu.memory_space<vmem>>, vector<16xi32>,
          %add3A_151 = arith.constant 16 : i32
          %add3A_152 = arith.addi %multiple_of3A_53, %add3A_151 : i32
          %get3A_153 = arith.index_cast %add3A_152 : i32 to index
          %get3A_154 = tpu.vector_load %arg10[%get3A_153] {strides = array<i32>} : memref<5120xi32, #tpu.memory_space<vmem>>, vector<16xi32>,
          %get3A_155 = vector.shape_cast %get3A_154 : vector<16xi32> to vector<16xi32>
          %swap3A_156 = arith.constant 16 : index
          %swap3A_157 = tpu.vector_load %arg12[%swap3A_156] {strides = array<i32>} : memref<128xi32, #tpu.memory_space<vmem>>, vector<16xi32>,
          %swap3A_158 = vector.shape_cast %swap3A_157 : vector<16xi32> to vector<16xi32>
          %swap3A_159 = vector.shape_cast %get3A_155 : vector<16xi32> to vector<16xi32>
          tpu.vector_store %arg12[%swap3A_156], %swap3A_159 {strides = array<i32>} : memref<128xi32, #tpu.memory_space<vmem>>, vector<16xi32>,
          %add3A_160 = arith.constant 32 : i32
          %add3A_161 = arith.addi %multiple_of3A_53, %add3A_160 : i32
          %get3A_162 = arith.index_cast %add3A_161 : i32 to index
          %get3A_163 = tpu.vector_load %arg10[%get3A_162] {strides = array<i32>} : memref<5120xi32, #tpu.memory_space<vmem>>, vector<16xi32>,
          %get3A_164 = vector.shape_cast %get3A_163 : vector<16xi32> to vector<16xi32>
          %swap3A_165 = arith.constant 32 : index
          %swap3A_166 = tpu.vector_load %arg12[%swap3A_165] {strides = array<i32>} : memref<128xi32, #tpu.memory_space<vmem>>, vector<16xi32>,
          %swap3A_167 = vector.shape_cast %swap3A_166 : vector<16xi32> to vector<16xi32>
          %swap3A_168 = vector.shape_cast %get3A_164 : vector<16xi32> to vector<16xi32>
          tpu.vector_store %arg12[%swap3A_165], %swap3A_168 {strides = array<i32>} : memref<128xi32, #tpu.memory_space<vmem>>, vector<16xi32>,
          %add3A_169 = arith.constant 48 : i32
          %add3A_170 = arith.addi %multiple_of3A_53, %add3A_169 : i32
          %get3A_171 = arith.index_cast %add3A_170 : i32 to index
          %get3A_172 = tpu.vector_load %arg10[%get3A_171] {strides = array<i32>} : memref<5120xi32, #tpu.memory_space<vmem>>, vector<16xi32>,
          %get3A_173 = vector.shape_cast %get3A_172 : vector<16xi32> to vector<16xi32>
          %swap3A_174 = arith.constant 48 : index
          %swap3A_175 = tpu.vector_load %arg12[%swap3A_174] {strides = array<i32>} : memref<128xi32, #tpu.memory_space<vmem>>, vector<16xi32>,
          %swap3A_176 = vector.shape_cast %swap3A_175 : vector<16xi32> to vector<16xi32>
          %swap3A_177 = vector.shape_cast %get3A_173 : vector<16xi32> to vector<16xi32>
          tpu.vector_store %arg12[%swap3A_174], %swap3A_177 {strides = array<i32>} : memref<128xi32, #tpu.memory_space<vmem>>, vector<16xi32>,
          %add3A_178 = arith.constant 64 : i32
          %add3A_179 = arith.addi %multiple_of3A_53, %add3A_178 : i32
          %get3A_180 = arith.index_cast %add3A_179 : i32 to index
          %get3A_181 = tpu.vector_load %arg10[%get3A_180] {strides = array<i32>} : memref<5120xi32, #tpu.memory_space<vmem>>, vector<16xi32>,
          %get3A_182 = vector.shape_cast %get3A_181 : vector<16xi32> to vector<16xi32>
          %swap3A_183 = arith.constant 64 : index
          %swap3A_184 = tpu.vector_load %arg12[%swap3A_183] {strides = array<i32>} : memref<128xi32, #tpu.memory_space<vmem>>, vector<16xi32>,
          %swap3A_185 = vector.shape_cast %swap3A_184 : vector<16xi32> to vector<16xi32>
          %swap3A_186 = vector.shape_cast %get3A_182 : vector<16xi32> to vector<16xi32>
          tpu.vector_store %arg12[%swap3A_183], %swap3A_186 {strides = array<i32>} : memref<128xi32, #tpu.memory_space<vmem>>, vector<16xi32>,
          %add3A_187 = arith.constant 80 : i32
          %add3A_188 = arith.addi %multiple_of3A_53, %add3A_187 : i32
          %get3A_189 = arith.index_cast %add3A_188 : i32 to index
          %get3A_190 = tpu.vector_load %arg10[%get3A_189] {strides = array<i32>} : memref<5120xi32, #tpu.memory_space<vmem>>, vector<16xi32>,
          %get3A_191 = vector.shape_cast %get3A_190 : vector<16xi32> to vector<16xi32>
          %swap3A_192 = arith.constant 80 : index
          %swap3A_193 = tpu.vector_load %arg12[%swap3A_192] {strides = array<i32>} : memref<128xi32, #tpu.memory_space<vmem>>, vector<16xi32>,
          %swap3A_194 = vector.shape_cast %swap3A_193 : vector<16xi32> to vector<16xi32>
          %swap3A_195 = vector.shape_cast %get3A_191 : vector<16xi32> to vector<16xi32>
          tpu.vector_store %arg12[%swap3A_192], %swap3A_195 {strides = array<i32>} : memref<128xi32, #tpu.memory_space<vmem>>, vector<16xi32>,
          %add3A_196 = arith.constant 96 : i32
          %add3A_197 = arith.addi %multiple_of3A_53, %add3A_196 : i32
          %get3A_198 = arith.index_cast %add3A_197 : i32 to index
          %get3A_199 = tpu.vector_load %arg10[%get3A_198] {strides = array<i32>} : memref<5120xi32, #tpu.memory_space<vmem>>, vector<16xi32>,
          %get3A_200 = vector.shape_cast %get3A_199 : vector<16xi32> to vector<16xi32>
          %swap3A_201 = arith.constant 96 : index
          %swap3A_202 = tpu.vector_load %arg12[%swap3A_201] {strides = array<i32>} : memref<128xi32, #tpu.memory_space<vmem>>, vector<16xi32>,
          %swap3A_203 = vector.shape_cast %swap3A_202 : vector<16xi32> to vector<16xi32>
          %swap3A_204 = vector.shape_cast %get3A_200 : vector<16xi32> to vector<16xi32>
          tpu.vector_store %arg12[%swap3A_201], %swap3A_204 {strides = array<i32>} : memref<128xi32, #tpu.memory_space<vmem>>, vector<16xi32>,
          %add3A_205 = arith.constant 112 : i32
          %add3A_206 = arith.addi %multiple_of3A_53, %add3A_205 : i32
          %get3A_207 = arith.index_cast %add3A_206 : i32 to index
          %get3A_208 = tpu.vector_load %arg10[%get3A_207] {strides = array<i32>} : memref<5120xi32, #tpu.memory_space<vmem>>, vector<16xi32>,
          %get3A_209 = vector.shape_cast %get3A_208 : vector<16xi32> to vector<16xi32>
          %swap3A_210 = arith.constant 112 : index
          %swap3A_211 = tpu.vector_load %arg12[%swap3A_210] {strides = array<i32>} : memref<128xi32, #tpu.memory_space<vmem>>, vector<16xi32>,
          %swap3A_212 = vector.shape_cast %swap3A_211 : vector<16xi32> to vector<16xi32>
          %swap3A_213 = vector.shape_cast %get3A_209 : vector<16xi32> to vector<16xi32>
          tpu.vector_store %arg12[%swap3A_210], %swap3A_213 {strides = array<i32>} : memref<128xi32, #tpu.memory_space<vmem>>, vector<16xi32>,
          %dma_wait3A_214 = tpu.memref_slice %arg9[%multiple_of3A_53] : memref<5120xi32, #tpu.memory_space<vmem>> -> memref<128xi32, #tpu.memory_space<vmem>>
          %dma_wait3A_215 = arith.constant 0 : i32
          %dma_wait3A_216 = arith.constant 0 : i32
          %dma_wait3A_217 = tpu.memref_slice %arg4[%dma_wait3A_215, %dma_wait3A_216] : memref<10000x128xf32, #tpu.memory_space<hbm>> -> memref<10000x128xf32, #tpu.memory_space<hbm>>
          tpu.wait_indirect_dma semaphore(%arg17 : memref<!tpu.dma_semaphore, #tpu.memory_space<semaphore_mem>>) src(%dma_wait3A_217 : memref<10000x128xf32, #tpu.memory_space<hbm>>) dst(%arg14 : memref<128x128xf32, #tpu.memory_space<vmem>>)
          "tpu.region"() ({
            %run_scoped3A = tpu.sem_alloc : memref<!tpu.dma_semaphore, #tpu.memory_space<semaphore_mem>>
            %dma_start3A_218 = arith.constant 0 : i32
            %dma_start3A_219 = arith.constant 0 : i32
            %dma_start3A_220 = tpu.memref_slice %arg15[%dma_start3A_218, %dma_start3A_219] : memref<10240x128xf32, #tpu.memory_space<vmem_shared>> -> memref<10240x128xf32, #tpu.memory_space<vmem_shared>>
            tpu.enqueue_indirect_dma source(%arg14 : memref<128x128xf32, #tpu.memory_space<vmem>>) target(%dma_start3A_220 : memref<10240x128xf32, #tpu.memory_space<vmem_shared>>) offsets(%arg12 : memref<128xi32, #tpu.memory_space<vmem>>) semaphore(%run_scoped3A : memref<!tpu.dma_semaphore, #tpu.memory_space<semaphore_mem>>) {add = true}
            %dma_wait3A_221 = arith.constant 0 : i32
            %dma_wait3A_222 = arith.constant 0 : i32
            %dma_wait3A_223 = tpu.memref_slice %arg15[%dma_wait3A_221, %dma_wait3A_222] : memref<10240x128xf32, #tpu.memory_space<vmem_shared>> -> memref<10240x128xf32, #tpu.memory_space<vmem_shared>>
            tpu.wait_indirect_dma semaphore(%run_scoped3A : memref<!tpu.dma_semaphore, #tpu.memory_space<semaphore_mem>>) src(%arg14 : memref<128x128xf32, #tpu.memory_space<vmem>>) dst(%dma_wait3A_223 : memref<10240x128xf32, #tpu.memory_space<vmem_shared>>)
            tpu.yield
          }) : () -> ()
        }
        %scan3A_40 = arith.constant 20 : i32
      }
      %scan3A_25 = arith.constant 2 : i32
    } else {
    }
    %eq3A_5 = arith.constant 1 : i32
    %eq3A_6 = arith.cmpi eq, %arg0, %eq3A_5 : i32
    %convert_element_type3A_7 = arith.extui %eq3A_6 : i1 to i32
    %cond3A_8 = arith.constant 0 : i32
    %cond3A_9 = arith.cmpi ne, %convert_element_type3A_7, %cond3A_8 : i32
    scf.if %cond3A_9 {
      %scan3A = arith.constant 0 : i32
      %scan3A_21 = arith.constant 0 : i32
      %scan3A_22 = arith.constant 2 : i32
      %scan3A_23 = arith.addi %scan3A_21, %scan3A_22 : i32
      %scan3A_24 = arith.constant 1 : i32
      scf.for %scan3A_26 = %scan3A_21 to %scan3A_23 step %scan3A_24  : i32 {
        %mul3A_27 = arith.constant 40 : i32
        %mul3A_28 = arith.muli %scan3A_26, %mul3A_27 : i32
        %mul3A_29 = arith.constant 128 : i32
        %mul3A_30 = arith.muli %mul3A_28, %mul3A_29 : i32
        %add3A = arith.addi %mul3A_0, %mul3A_30 : i32
        %multiple_of3A = tpu.assume_multiple %add3A, 8 : i32
        "tpu.region"() ({
          %run_scoped3A = tpu.sem_alloc : memref<!tpu.dma_semaphore, #tpu.memory_space<semaphore_mem>>
          %dma_start3A_41 = tpu.memref_slice %arg2[%multiple_of3A] : memref<163840xi32, #tpu.memory_space<hbm>> -> memref<5120xi32, #tpu.memory_space<hbm>>
          %dma_start3A_42 = tpu.memref_slice %arg2[%multiple_of3A] : memref<163840xi32, #tpu.memory_space<hbm>> -> memref<5120xi32, #tpu.memory_space<hbm>>
          tpu.enqueue_dma source(%dma_start3A_42 : memref<5120xi32, #tpu.memory_space<hbm>>) target(%arg9 : memref<5120xi32, #tpu.memory_space<vmem>>) target_semaphore(%run_scoped3A : memref<!tpu.dma_semaphore, #tpu.memory_space<semaphore_mem>>)
          %dma_wait3A = tpu.memref_slice %arg2[%multiple_of3A] : memref<163840xi32, #tpu.memory_space<hbm>> -> memref<5120xi32, #tpu.memory_space<hbm>>
          %dma_wait3A_43 = tpu.memref_slice %arg2[%multiple_of3A] : memref<163840xi32, #tpu.memory_space<hbm>> -> memref<5120xi32, #tpu.memory_space<hbm>>
          tpu.wait_dma2 semaphore(%run_scoped3A : memref<!tpu.dma_semaphore, #tpu.memory_space<semaphore_mem>>) src(%dma_wait3A_43 : memref<5120xi32, #tpu.memory_space<hbm>>) dst(%arg9 : memref<5120xi32, #tpu.memory_space<vmem>>)
          tpu.yield
        }) : () -> ()
        "tpu.region"() ({
          %run_scoped3A = tpu.sem_alloc : memref<!tpu.dma_semaphore, #tpu.memory_space<semaphore_mem>>
          %dma_start3A_41 = tpu.memref_slice %arg3[%multiple_of3A] : memref<163840xi32, #tpu.memory_space<hbm>> -> memref<5120xi32, #tpu.memory_space<hbm>>
          %dma_start3A_42 = tpu.memref_slice %arg3[%multiple_of3A] : memref<163840xi32, #tpu.memory_space<hbm>> -> memref<5120xi32, #tpu.memory_space<hbm>>
          tpu.enqueue_dma source(%dma_start3A_42 : memref<5120xi32, #tpu.memory_space<hbm>>) target(%arg10 : memref<5120xi32, #tpu.memory_space<vmem>>) target_semaphore(%run_scoped3A : memref<!tpu.dma_semaphore, #tpu.memory_space<semaphore_mem>>)
          %dma_wait3A = tpu.memref_slice %arg3[%multiple_of3A] : memref<163840xi32, #tpu.memory_space<hbm>> -> memref<5120xi32, #tpu.memory_space<hbm>>
          %dma_wait3A_43 = tpu.memref_slice %arg3[%multiple_of3A] : memref<163840xi32, #tpu.memory_space<hbm>> -> memref<5120xi32, #tpu.memory_space<hbm>>
          tpu.wait_dma2 semaphore(%run_scoped3A : memref<!tpu.dma_semaphore, #tpu.memory_space<semaphore_mem>>) src(%dma_wait3A_43 : memref<5120xi32, #tpu.memory_space<hbm>>) dst(%arg10 : memref<5120xi32, #tpu.memory_space<vmem>>)
          tpu.yield
        }) : () -> ()
        %dma_start3A = arith.constant 0 : i32
        %dma_start3A_31 = tpu.memref_slice %arg9[%dma_start3A] : memref<5120xi32, #tpu.memory_space<vmem>> -> memref<128xi32, #tpu.memory_space<vmem>>
        %dma_start3A_32 = arith.constant 0 : i32
        %dma_start3A_33 = arith.constant 0 : i32
        %dma_start3A_34 = tpu.memref_slice %arg5[%dma_start3A_32, %dma_start3A_33] : memref<10000x128xf32, #tpu.memory_space<hbm>> -> memref<10000x128xf32, #tpu.memory_space<hbm>>
        tpu.enqueue_indirect_dma source(%dma_start3A_34 : memref<10000x128xf32, #tpu.memory_space<hbm>>) target(%arg13 : memref<128x128xf32, #tpu.memory_space<vmem>>) offsets(%dma_start3A_31 : memref<128xi32, #tpu.memory_space<vmem>>) semaphore(%arg16 : memref<!tpu.dma_semaphore, #tpu.memory_space<semaphore_mem>>)
        %scan3A_35 = arith.constant 0 : i32
        %scan3A_36 = arith.constant 0 : i32
        %scan3A_37 = arith.constant 20 : i32
        %scan3A_38 = arith.addi %scan3A_36, %scan3A_37 : i32
        %scan3A_39 = arith.constant 1 : i32
        scf.for %scan3A_41 = %scan3A_36 to %scan3A_38 step %scan3A_39  : i32 {
          %mul3A_42 = arith.constant 2 : i32
          %mul3A_43 = arith.muli %mul3A_42, %scan3A_41 : i32
          %mul3A_44 = arith.constant 128 : i32
          %mul3A_45 = arith.muli %mul3A_43, %mul3A_44 : i32
          %multiple_of3A_46 = tpu.assume_multiple %mul3A_45, 128 : i32
          %mul3A_47 = arith.constant 2 : i32
          %mul3A_48 = arith.muli %mul3A_47, %scan3A_41 : i32
          %add3A_49 = arith.constant 1 : i32
          %add3A_50 = arith.addi %mul3A_48, %add3A_49 : i32
          %mul3A_51 = arith.constant 128 : i32
          %mul3A_52 = arith.muli %add3A_50, %mul3A_51 : i32
          %multiple_of3A_53 = tpu.assume_multiple %mul3A_52, 128 : i32
          %mul3A_54 = arith.constant 2 : i32
          %mul3A_55 = arith.muli %mul3A_54, %scan3A_41 : i32
          %add3A_56 = arith.constant 2 : i32
          %add3A_57 = arith.addi %mul3A_55, %add3A_56 : i32
          %mul3A_58 = arith.constant 128 : i32
          %mul3A_59 = arith.muli %add3A_57, %mul3A_58 : i32
          %multiple_of3A_60 = tpu.assume_multiple %mul3A_59, 128 : i32
          %dma_start3A_61 = tpu.memref_slice %arg9[%multiple_of3A_53] : memref<5120xi32, #tpu.memory_space<vmem>> -> memref<128xi32, #tpu.memory_space<vmem>>
          %dma_start3A_62 = arith.constant 0 : i32
          %dma_start3A_63 = arith.constant 0 : i32
          %dma_start3A_64 = tpu.memref_slice %arg5[%dma_start3A_62, %dma_start3A_63] : memref<10000x128xf32, #tpu.memory_space<hbm>> -> memref<10000x128xf32, #tpu.memory_space<hbm>>
          tpu.enqueue_indirect_dma source(%dma_start3A_64 : memref<10000x128xf32, #tpu.memory_space<hbm>>) target(%arg14 : memref<128x128xf32, #tpu.memory_space<vmem>>) offsets(%dma_start3A_61 : memref<128xi32, #tpu.memory_space<vmem>>) semaphore(%arg17 : memref<!tpu.dma_semaphore, #tpu.memory_space<semaphore_mem>>)
          %add3A_65 = arith.constant 0 : i32
          %add3A_66 = arith.addi %multiple_of3A_46, %add3A_65 : i32
          %get3A = arith.index_cast %add3A_66 : i32 to index
          %get3A_67 = tpu.vector_load %arg10[%get3A] {strides = array<i32>} : memref<5120xi32, #tpu.memory_space<vmem>>, vector<16xi32>,
          %get3A_68 = vector.shape_cast %get3A_67 : vector<16xi32> to vector<16xi32>
          %swap3A = arith.constant 0 : index
          %swap3A_69 = tpu.vector_load %arg11[%swap3A] {strides = array<i32>} : memref<128xi32, #tpu.memory_space<vmem>>, vector<16xi32>,
          %swap3A_70 = vector.shape_cast %swap3A_69 : vector<16xi32> to vector<16xi32>
          %swap3A_71 = vector.shape_cast %get3A_68 : vector<16xi32> to vector<16xi32>
          tpu.vector_store %arg11[%swap3A], %swap3A_71 {strides = array<i32>} : memref<128xi32, #tpu.memory_space<vmem>>, vector<16xi32>,
          %add3A_72 = arith.constant 16 : i32
          %add3A_73 = arith.addi %multiple_of3A_46, %add3A_72 : i32
          %get3A_74 = arith.index_cast %add3A_73 : i32 to index
          %get3A_75 = tpu.vector_load %arg10[%get3A_74] {strides = array<i32>} : memref<5120xi32, #tpu.memory_space<vmem>>, vector<16xi32>,
          %get3A_76 = vector.shape_cast %get3A_75 : vector<16xi32> to vector<16xi32>
          %swap3A_77 = arith.constant 16 : index
          %swap3A_78 = tpu.vector_load %arg11[%swap3A_77] {strides = array<i32>} : memref<128xi32, #tpu.memory_space<vmem>>, vector<16xi32>,
          %swap3A_79 = vector.shape_cast %swap3A_78 : vector<16xi32> to vector<16xi32>
          %swap3A_80 = vector.shape_cast %get3A_76 : vector<16xi32> to vector<16xi32>
          tpu.vector_store %arg11[%swap3A_77], %swap3A_80 {strides = array<i32>} : memref<128xi32, #tpu.memory_space<vmem>>, vector<16xi32>,
          %add3A_81 = arith.constant 32 : i32
          %add3A_82 = arith.addi %multiple_of3A_46, %add3A_81 : i32
          %get3A_83 = arith.index_cast %add3A_82 : i32 to index
          %get3A_84 = tpu.vector_load %arg10[%get3A_83] {strides = array<i32>} : memref<5120xi32, #tpu.memory_space<vmem>>, vector<16xi32>,
          %get3A_85 = vector.shape_cast %get3A_84 : vector<16xi32> to vector<16xi32>
          %swap3A_86 = arith.constant 32 : index
          %swap3A_87 = tpu.vector_load %arg11[%swap3A_86] {strides = array<i32>} : memref<128xi32, #tpu.memory_space<vmem>>, vector<16xi32>,
          %swap3A_88 = vector.shape_cast %swap3A_87 : vector<16xi32> to vector<16xi32>
          %swap3A_89 = vector.shape_cast %get3A_85 : vector<16xi32> to vector<16xi32>
          tpu.vector_store %arg11[%swap3A_86], %swap3A_89 {strides = array<i32>} : memref<128xi32, #tpu.memory_space<vmem>>, vector<16xi32>,
          %add3A_90 = arith.constant 48 : i32
          %add3A_91 = arith.addi %multiple_of3A_46, %add3A_90 : i32
          %get3A_92 = arith.index_cast %add3A_91 : i32 to index
          %get3A_93 = tpu.vector_load %arg10[%get3A_92] {strides = array<i32>} : memref<5120xi32, #tpu.memory_space<vmem>>, vector<16xi32>,
          %get3A_94 = vector.shape_cast %get3A_93 : vector<16xi32> to vector<16xi32>
          %swap3A_95 = arith.constant 48 : index
          %swap3A_96 = tpu.vector_load %arg11[%swap3A_95] {strides = array<i32>} : memref<128xi32, #tpu.memory_space<vmem>>, vector<16xi32>,
          %swap3A_97 = vector.shape_cast %swap3A_96 : vector<16xi32> to vector<16xi32>
          %swap3A_98 = vector.shape_cast %get3A_94 : vector<16xi32> to vector<16xi32>
          tpu.vector_store %arg11[%swap3A_95], %swap3A_98 {strides = array<i32>} : memref<128xi32, #tpu.memory_space<vmem>>, vector<16xi32>,
          %add3A_99 = arith.constant 64 : i32
          %add3A_100 = arith.addi %multiple_of3A_46, %add3A_99 : i32
          %get3A_101 = arith.index_cast %add3A_100 : i32 to index
          %get3A_102 = tpu.vector_load %arg10[%get3A_101] {strides = array<i32>} : memref<5120xi32, #tpu.memory_space<vmem>>, vector<16xi32>,
          %get3A_103 = vector.shape_cast %get3A_102 : vector<16xi32> to vector<16xi32>
          %swap3A_104 = arith.constant 64 : index
          %swap3A_105 = tpu.vector_load %arg11[%swap3A_104] {strides = array<i32>} : memref<128xi32, #tpu.memory_space<vmem>>, vector<16xi32>,
          %swap3A_106 = vector.shape_cast %swap3A_105 : vector<16xi32> to vector<16xi32>
          %swap3A_107 = vector.shape_cast %get3A_103 : vector<16xi32> to vector<16xi32>
          tpu.vector_store %arg11[%swap3A_104], %swap3A_107 {strides = array<i32>} : memref<128xi32, #tpu.memory_space<vmem>>, vector<16xi32>,
          %add3A_108 = arith.constant 80 : i32
          %add3A_109 = arith.addi %multiple_of3A_46, %add3A_108 : i32
          %get3A_110 = arith.index_cast %add3A_109 : i32 to index
          %get3A_111 = tpu.vector_load %arg10[%get3A_110] {strides = array<i32>} : memref<5120xi32, #tpu.memory_space<vmem>>, vector<16xi32>,
          %get3A_112 = vector.shape_cast %get3A_111 : vector<16xi32> to vector<16xi32>
          %swap3A_113 = arith.constant 80 : index
          %swap3A_114 = tpu.vector_load %arg11[%swap3A_113] {strides = array<i32>} : memref<128xi32, #tpu.memory_space<vmem>>, vector<16xi32>,
          %swap3A_115 = vector.shape_cast %swap3A_114 : vector<16xi32> to vector<16xi32>
          %swap3A_116 = vector.shape_cast %get3A_112 : vector<16xi32> to vector<16xi32>
          tpu.vector_store %arg11[%swap3A_113], %swap3A_116 {strides = array<i32>} : memref<128xi32, #tpu.memory_space<vmem>>, vector<16xi32>,
          %add3A_117 = arith.constant 96 : i32
          %add3A_118 = arith.addi %multiple_of3A_46, %add3A_117 : i32
          %get3A_119 = arith.index_cast %add3A_118 : i32 to index
          %get3A_120 = tpu.vector_load %arg10[%get3A_119] {strides = array<i32>} : memref<5120xi32, #tpu.memory_space<vmem>>, vector<16xi32>,
          %get3A_121 = vector.shape_cast %get3A_120 : vector<16xi32> to vector<16xi32>
          %swap3A_122 = arith.constant 96 : index
          %swap3A_123 = tpu.vector_load %arg11[%swap3A_122] {strides = array<i32>} : memref<128xi32, #tpu.memory_space<vmem>>, vector<16xi32>,
          %swap3A_124 = vector.shape_cast %swap3A_123 : vector<16xi32> to vector<16xi32>
          %swap3A_125 = vector.shape_cast %get3A_121 : vector<16xi32> to vector<16xi32>
          tpu.vector_store %arg11[%swap3A_122], %swap3A_125 {strides = array<i32>} : memref<128xi32, #tpu.memory_space<vmem>>, vector<16xi32>,
          %add3A_126 = arith.constant 112 : i32
          %add3A_127 = arith.addi %multiple_of3A_46, %add3A_126 : i32
          %get3A_128 = arith.index_cast %add3A_127 : i32 to index
          %get3A_129 = tpu.vector_load %arg10[%get3A_128] {strides = array<i32>} : memref<5120xi32, #tpu.memory_space<vmem>>, vector<16xi32>,
          %get3A_130 = vector.shape_cast %get3A_129 : vector<16xi32> to vector<16xi32>
          %swap3A_131 = arith.constant 112 : index
          %swap3A_132 = tpu.vector_load %arg11[%swap3A_131] {strides = array<i32>} : memref<128xi32, #tpu.memory_space<vmem>>, vector<16xi32>,
          %swap3A_133 = vector.shape_cast %swap3A_132 : vector<16xi32> to vector<16xi32>
          %swap3A_134 = vector.shape_cast %get3A_130 : vector<16xi32> to vector<16xi32>
          tpu.vector_store %arg11[%swap3A_131], %swap3A_134 {strides = array<i32>} : memref<128xi32, #tpu.memory_space<vmem>>, vector<16xi32>,
          %dma_wait3A = tpu.memref_slice %arg9[%multiple_of3A_46] : memref<5120xi32, #tpu.memory_space<vmem>> -> memref<128xi32, #tpu.memory_space<vmem>>
          %dma_wait3A_135 = arith.constant 0 : i32
          %dma_wait3A_136 = arith.constant 0 : i32
          %dma_wait3A_137 = tpu.memref_slice %arg5[%dma_wait3A_135, %dma_wait3A_136] : memref<10000x128xf32, #tpu.memory_space<hbm>> -> memref<10000x128xf32, #tpu.memory_space<hbm>>
          tpu.wait_indirect_dma semaphore(%arg16 : memref<!tpu.dma_semaphore, #tpu.memory_space<semaphore_mem>>) src(%dma_wait3A_137 : memref<10000x128xf32, #tpu.memory_space<hbm>>) dst(%arg13 : memref<128x128xf32, #tpu.memory_space<vmem>>)
          "tpu.region"() ({
            %run_scoped3A = tpu.sem_alloc : memref<!tpu.dma_semaphore, #tpu.memory_space<semaphore_mem>>
            %dma_start3A_218 = arith.constant 0 : i32
            %dma_start3A_219 = arith.constant 0 : i32
            %dma_start3A_220 = tpu.memref_slice %arg15[%dma_start3A_218, %dma_start3A_219] : memref<10240x128xf32, #tpu.memory_space<vmem_shared>> -> memref<10240x128xf32, #tpu.memory_space<vmem_shared>>
            tpu.enqueue_indirect_dma source(%arg13 : memref<128x128xf32, #tpu.memory_space<vmem>>) target(%dma_start3A_220 : memref<10240x128xf32, #tpu.memory_space<vmem_shared>>) offsets(%arg11 : memref<128xi32, #tpu.memory_space<vmem>>) semaphore(%run_scoped3A : memref<!tpu.dma_semaphore, #tpu.memory_space<semaphore_mem>>) {add = true}
            %dma_wait3A_221 = arith.constant 0 : i32
            %dma_wait3A_222 = arith.constant 0 : i32
            %dma_wait3A_223 = tpu.memref_slice %arg15[%dma_wait3A_221, %dma_wait3A_222] : memref<10240x128xf32, #tpu.memory_space<vmem_shared>> -> memref<10240x128xf32, #tpu.memory_space<vmem_shared>>
            tpu.wait_indirect_dma semaphore(%run_scoped3A : memref<!tpu.dma_semaphore, #tpu.memory_space<semaphore_mem>>) src(%arg13 : memref<128x128xf32, #tpu.memory_space<vmem>>) dst(%dma_wait3A_223 : memref<10240x128xf32, #tpu.memory_space<vmem_shared>>)
            tpu.yield
          }) : () -> ()
          %lt3A = arith.constant 19 : i32
          %lt3A_138 = arith.cmpi slt, %scan3A_41, %lt3A : i32
          %convert_element_type3A_139 = arith.extui %lt3A_138 : i1 to i32
          %cond3A_140 = arith.constant 0 : i32
          %cond3A_141 = arith.cmpi ne, %convert_element_type3A_139, %cond3A_140 : i32
          scf.if %cond3A_141 {
            %dma_start3A_218 = tpu.memref_slice %arg9[%multiple_of3A_60] : memref<5120xi32, #tpu.memory_space<vmem>> -> memref<128xi32, #tpu.memory_space<vmem>>
            %dma_start3A_219 = arith.constant 0 : i32
            %dma_start3A_220 = arith.constant 0 : i32
            %dma_start3A_221 = tpu.memref_slice %arg5[%dma_start3A_219, %dma_start3A_220] : memref<10000x128xf32, #tpu.memory_space<hbm>> -> memref<10000x128xf32, #tpu.memory_space<hbm>>
            tpu.enqueue_indirect_dma source(%dma_start3A_221 : memref<10000x128xf32, #tpu.memory_space<hbm>>) target(%arg13 : memref<128x128xf32, #tpu.memory_space<vmem>>) offsets(%dma_start3A_218 : memref<128xi32, #tpu.memory_space<vmem>>) semaphore(%arg16 : memref<!tpu.dma_semaphore, #tpu.memory_space<semaphore_mem>>)
          } else {
          }
          %add3A_142 = arith.constant 0 : i32
          %add3A_143 = arith.addi %multiple_of3A_53, %add3A_142 : i32
          %get3A_144 = arith.index_cast %add3A_143 : i32 to index
          %get3A_145 = tpu.vector_load %arg10[%get3A_144] {strides = array<i32>} : memref<5120xi32, #tpu.memory_space<vmem>>, vector<16xi32>,
          %get3A_146 = vector.shape_cast %get3A_145 : vector<16xi32> to vector<16xi32>
          %swap3A_147 = arith.constant 0 : index
          %swap3A_148 = tpu.vector_load %arg12[%swap3A_147] {strides = array<i32>} : memref<128xi32, #tpu.memory_space<vmem>>, vector<16xi32>,
          %swap3A_149 = vector.shape_cast %swap3A_148 : vector<16xi32> to vector<16xi32>
          %swap3A_150 = vector.shape_cast %get3A_146 : vector<16xi32> to vector<16xi32>
          tpu.vector_store %arg12[%swap3A_147], %swap3A_150 {strides = array<i32>} : memref<128xi32, #tpu.memory_space<vmem>>, vector<16xi32>,
          %add3A_151 = arith.constant 16 : i32
          %add3A_152 = arith.addi %multiple_of3A_53, %add3A_151 : i32
          %get3A_153 = arith.index_cast %add3A_152 : i32 to index
          %get3A_154 = tpu.vector_load %arg10[%get3A_153] {strides = array<i32>} : memref<5120xi32, #tpu.memory_space<vmem>>, vector<16xi32>,
          %get3A_155 = vector.shape_cast %get3A_154 : vector<16xi32> to vector<16xi32>
          %swap3A_156 = arith.constant 16 : index
          %swap3A_157 = tpu.vector_load %arg12[%swap3A_156] {strides = array<i32>} : memref<128xi32, #tpu.memory_space<vmem>>, vector<16xi32>,
          %swap3A_158 = vector.shape_cast %swap3A_157 : vector<16xi32> to vector<16xi32>
          %swap3A_159 = vector.shape_cast %get3A_155 : vector<16xi32> to vector<16xi32>
          tpu.vector_store %arg12[%swap3A_156], %swap3A_159 {strides = array<i32>} : memref<128xi32, #tpu.memory_space<vmem>>, vector<16xi32>,
          %add3A_160 = arith.constant 32 : i32
          %add3A_161 = arith.addi %multiple_of3A_53, %add3A_160 : i32
          %get3A_162 = arith.index_cast %add3A_161 : i32 to index
          %get3A_163 = tpu.vector_load %arg10[%get3A_162] {strides = array<i32>} : memref<5120xi32, #tpu.memory_space<vmem>>, vector<16xi32>,
          %get3A_164 = vector.shape_cast %get3A_163 : vector<16xi32> to vector<16xi32>
          %swap3A_165 = arith.constant 32 : index
          %swap3A_166 = tpu.vector_load %arg12[%swap3A_165] {strides = array<i32>} : memref<128xi32, #tpu.memory_space<vmem>>, vector<16xi32>,
          %swap3A_167 = vector.shape_cast %swap3A_166 : vector<16xi32> to vector<16xi32>
          %swap3A_168 = vector.shape_cast %get3A_164 : vector<16xi32> to vector<16xi32>
          tpu.vector_store %arg12[%swap3A_165], %swap3A_168 {strides = array<i32>} : memref<128xi32, #tpu.memory_space<vmem>>, vector<16xi32>,
          %add3A_169 = arith.constant 48 : i32
          %add3A_170 = arith.addi %multiple_of3A_53, %add3A_169 : i32
          %get3A_171 = arith.index_cast %add3A_170 : i32 to index
          %get3A_172 = tpu.vector_load %arg10[%get3A_171] {strides = array<i32>} : memref<5120xi32, #tpu.memory_space<vmem>>, vector<16xi32>,
          %get3A_173 = vector.shape_cast %get3A_172 : vector<16xi32> to vector<16xi32>
          %swap3A_174 = arith.constant 48 : index
          %swap3A_175 = tpu.vector_load %arg12[%swap3A_174] {strides = array<i32>} : memref<128xi32, #tpu.memory_space<vmem>>, vector<16xi32>,
          %swap3A_176 = vector.shape_cast %swap3A_175 : vector<16xi32> to vector<16xi32>
          %swap3A_177 = vector.shape_cast %get3A_173 : vector<16xi32> to vector<16xi32>
          tpu.vector_store %arg12[%swap3A_174], %swap3A_177 {strides = array<i32>} : memref<128xi32, #tpu.memory_space<vmem>>, vector<16xi32>,
          %add3A_178 = arith.constant 64 : i32
          %add3A_179 = arith.addi %multiple_of3A_53, %add3A_178 : i32
          %get3A_180 = arith.index_cast %add3A_179 : i32 to index
          %get3A_181 = tpu.vector_load %arg10[%get3A_180] {strides = array<i32>} : memref<5120xi32, #tpu.memory_space<vmem>>, vector<16xi32>,
          %get3A_182 = vector.shape_cast %get3A_181 : vector<16xi32> to vector<16xi32>
          %swap3A_183 = arith.constant 64 : index
          %swap3A_184 = tpu.vector_load %arg12[%swap3A_183] {strides = array<i32>} : memref<128xi32, #tpu.memory_space<vmem>>, vector<16xi32>,
          %swap3A_185 = vector.shape_cast %swap3A_184 : vector<16xi32> to vector<16xi32>
          %swap3A_186 = vector.shape_cast %get3A_182 : vector<16xi32> to vector<16xi32>
          tpu.vector_store %arg12[%swap3A_183], %swap3A_186 {strides = array<i32>} : memref<128xi32, #tpu.memory_space<vmem>>, vector<16xi32>,
          %add3A_187 = arith.constant 80 : i32
          %add3A_188 = arith.addi %multiple_of3A_53, %add3A_187 : i32
          %get3A_189 = arith.index_cast %add3A_188 : i32 to index
          %get3A_190 = tpu.vector_load %arg10[%get3A_189] {strides = array<i32>} : memref<5120xi32, #tpu.memory_space<vmem>>, vector<16xi32>,
          %get3A_191 = vector.shape_cast %get3A_190 : vector<16xi32> to vector<16xi32>
          %swap3A_192 = arith.constant 80 : index
          %swap3A_193 = tpu.vector_load %arg12[%swap3A_192] {strides = array<i32>} : memref<128xi32, #tpu.memory_space<vmem>>, vector<16xi32>,
          %swap3A_194 = vector.shape_cast %swap3A_193 : vector<16xi32> to vector<16xi32>
          %swap3A_195 = vector.shape_cast %get3A_191 : vector<16xi32> to vector<16xi32>
          tpu.vector_store %arg12[%swap3A_192], %swap3A_195 {strides = array<i32>} : memref<128xi32, #tpu.memory_space<vmem>>, vector<16xi32>,
          %add3A_196 = arith.constant 96 : i32
          %add3A_197 = arith.addi %multiple_of3A_53, %add3A_196 : i32
          %get3A_198 = arith.index_cast %add3A_197 : i32 to index
          %get3A_199 = tpu.vector_load %arg10[%get3A_198] {strides = array<i32>} : memref<5120xi32, #tpu.memory_space<vmem>>, vector<16xi32>,
          %get3A_200 = vector.shape_cast %get3A_199 : vector<16xi32> to vector<16xi32>
          %swap3A_201 = arith.constant 96 : index
          %swap3A_202 = tpu.vector_load %arg12[%swap3A_201] {strides = array<i32>} : memref<128xi32, #tpu.memory_space<vmem>>, vector<16xi32>,
          %swap3A_203 = vector.shape_cast %swap3A_202 : vector<16xi32> to vector<16xi32>
          %swap3A_204 = vector.shape_cast %get3A_200 : vector<16xi32> to vector<16xi32>
          tpu.vector_store %arg12[%swap3A_201], %swap3A_204 {strides = array<i32>} : memref<128xi32, #tpu.memory_space<vmem>>, vector<16xi32>,
          %add3A_205 = arith.constant 112 : i32
          %add3A_206 = arith.addi %multiple_of3A_53, %add3A_205 : i32
          %get3A_207 = arith.index_cast %add3A_206 : i32 to index
          %get3A_208 = tpu.vector_load %arg10[%get3A_207] {strides = array<i32>} : memref<5120xi32, #tpu.memory_space<vmem>>, vector<16xi32>,
          %get3A_209 = vector.shape_cast %get3A_208 : vector<16xi32> to vector<16xi32>
          %swap3A_210 = arith.constant 112 : index
          %swap3A_211 = tpu.vector_load %arg12[%swap3A_210] {strides = array<i32>} : memref<128xi32, #tpu.memory_space<vmem>>, vector<16xi32>,
          %swap3A_212 = vector.shape_cast %swap3A_211 : vector<16xi32> to vector<16xi32>
          %swap3A_213 = vector.shape_cast %get3A_209 : vector<16xi32> to vector<16xi32>
          tpu.vector_store %arg12[%swap3A_210], %swap3A_213 {strides = array<i32>} : memref<128xi32, #tpu.memory_space<vmem>>, vector<16xi32>,
          %dma_wait3A_214 = tpu.memref_slice %arg9[%multiple_of3A_53] : memref<5120xi32, #tpu.memory_space<vmem>> -> memref<128xi32, #tpu.memory_space<vmem>>
          %dma_wait3A_215 = arith.constant 0 : i32
          %dma_wait3A_216 = arith.constant 0 : i32
          %dma_wait3A_217 = tpu.memref_slice %arg5[%dma_wait3A_215, %dma_wait3A_216] : memref<10000x128xf32, #tpu.memory_space<hbm>> -> memref<10000x128xf32, #tpu.memory_space<hbm>>
          tpu.wait_indirect_dma semaphore(%arg17 : memref<!tpu.dma_semaphore, #tpu.memory_space<semaphore_mem>>) src(%dma_wait3A_217 : memref<10000x128xf32, #tpu.memory_space<hbm>>) dst(%arg14 : memref<128x128xf32, #tpu.memory_space<vmem>>)
          "tpu.region"() ({
            %run_scoped3A = tpu.sem_alloc : memref<!tpu.dma_semaphore, #tpu.memory_space<semaphore_mem>>
            %dma_start3A_218 = arith.constant 0 : i32
            %dma_start3A_219 = arith.constant 0 : i32
            %dma_start3A_220 = tpu.memref_slice %arg15[%dma_start3A_218, %dma_start3A_219] : memref<10240x128xf32, #tpu.memory_space<vmem_shared>> -> memref<10240x128xf32, #tpu.memory_space<vmem_shared>>
            tpu.enqueue_indirect_dma source(%arg14 : memref<128x128xf32, #tpu.memory_space<vmem>>) target(%dma_start3A_220 : memref<10240x128xf32, #tpu.memory_space<vmem_shared>>) offsets(%arg12 : memref<128xi32, #tpu.memory_space<vmem>>) semaphore(%run_scoped3A : memref<!tpu.dma_semaphore, #tpu.memory_space<semaphore_mem>>) {add = true}
            %dma_wait3A_221 = arith.constant 0 : i32
            %dma_wait3A_222 = arith.constant 0 : i32
            %dma_wait3A_223 = tpu.memref_slice %arg15[%dma_wait3A_221, %dma_wait3A_222] : memref<10240x128xf32, #tpu.memory_space<vmem_shared>> -> memref<10240x128xf32, #tpu.memory_space<vmem_shared>>
            tpu.wait_indirect_dma semaphore(%run_scoped3A : memref<!tpu.dma_semaphore, #tpu.memory_space<semaphore_mem>>) src(%arg14 : memref<128x128xf32, #tpu.memory_space<vmem>>) dst(%dma_wait3A_223 : memref<10240x128xf32, #tpu.memory_space<vmem_shared>>)
            tpu.yield
          }) : () -> ()
        }
        %scan3A_40 = arith.constant 20 : i32
      }
      %scan3A_25 = arith.constant 2 : i32
    } else {
    }
    %barrier3A_10 = arith.constant 0 : index
    tpu.barrier barrier_id(%barrier3A_10)
    %eq3A_11 = arith.constant 0 : i32
    %eq3A_12 = arith.cmpi eq, %arg0, %eq3A_11 : i32
    %convert_element_type3A_13 = arith.extui %eq3A_12 : i1 to i32
    %cond3A_14 = arith.constant 0 : i32
    %cond3A_15 = arith.cmpi ne, %convert_element_type3A_13, %cond3A_14 : i32
    scf.if %cond3A_15 {
      %mul3A_21 = arith.constant 640 : i32
      %mul3A_22 = arith.muli %arg1, %mul3A_21 : i32
      %mul3A_23 = arith.constant 640 : i32
      %mul3A_24 = arith.muli %arg1, %mul3A_23 : i32
      "tpu.region"() ({
        %run_scoped3A = tpu.sem_alloc : memref<!tpu.dma_semaphore, #tpu.memory_space<semaphore_mem>>
        %dma_start3A = arith.constant 0 : i32
        %dma_start3A_25 = tpu.memref_slice %arg7[%mul3A_24, %dma_start3A] : memref<10240x128xf32, #tpu.memory_space<hbm>> -> memref<640x128xf32, #tpu.memory_space<hbm>>
        %dma_start3A_26 = arith.constant 0 : i32
        %dma_start3A_27 = tpu.memref_slice %arg15[%mul3A_22, %dma_start3A_26] : memref<10240x128xf32, #tpu.memory_space<vmem_shared>> -> memref<640x128xf32, #tpu.memory_space<vmem_shared>>
        tpu.enqueue_dma source(%dma_start3A_27 : memref<640x128xf32, #tpu.memory_space<vmem_shared>>) target(%dma_start3A_25 : memref<640x128xf32, #tpu.memory_space<hbm>>) target_semaphore(%run_scoped3A : memref<!tpu.dma_semaphore, #tpu.memory_space<semaphore_mem>>)
        %dma_wait3A = arith.constant 0 : i32
        %dma_wait3A_28 = tpu.memref_slice %arg7[%mul3A_24, %dma_wait3A] : memref<10240x128xf32, #tpu.memory_space<hbm>> -> memref<640x128xf32, #tpu.memory_space<hbm>>
        %dma_wait3A_29 = arith.constant 0 : i32
        %dma_wait3A_30 = tpu.memref_slice %arg15[%mul3A_22, %dma_wait3A_29] : memref<10240x128xf32, #tpu.memory_space<vmem_shared>> -> memref<640x128xf32, #tpu.memory_space<vmem_shared>>
        tpu.wait_dma2 semaphore(%run_scoped3A : memref<!tpu.dma_semaphore, #tpu.memory_space<semaphore_mem>>) src(%dma_wait3A_30 : memref<640x128xf32, #tpu.memory_space<vmem_shared>>) dst(%dma_wait3A_28 : memref<640x128xf32, #tpu.memory_space<hbm>>)
        tpu.yield
      }) : () -> ()
    } else {
    }
    %eq3A_16 = arith.constant 1 : i32
    %eq3A_17 = arith.cmpi eq, %arg0, %eq3A_16 : i32
    %convert_element_type3A_18 = arith.extui %eq3A_17 : i1 to i32
    %cond3A_19 = arith.constant 0 : i32
    %cond3A_20 = arith.cmpi ne, %convert_element_type3A_18, %cond3A_19 : i32
    scf.if %cond3A_20 {
      %mul3A_21 = arith.constant 640 : i32
      %mul3A_22 = arith.muli %arg1, %mul3A_21 : i32
      %mul3A_23 = arith.constant 640 : i32
      %mul3A_24 = arith.muli %arg1, %mul3A_23 : i32
      "tpu.region"() ({
        %run_scoped3A = tpu.sem_alloc : memref<!tpu.dma_semaphore, #tpu.memory_space<semaphore_mem>>
        %dma_start3A = arith.constant 0 : i32
        %dma_start3A_25 = tpu.memref_slice %arg8[%mul3A_24, %dma_start3A] : memref<10240x128xf32, #tpu.memory_space<hbm>> -> memref<640x128xf32, #tpu.memory_space<hbm>>
        %dma_start3A_26 = arith.constant 0 : i32
        %dma_start3A_27 = tpu.memref_slice %arg15[%mul3A_22, %dma_start3A_26] : memref<10240x128xf32, #tpu.memory_space<vmem_shared>> -> memref<640x128xf32, #tpu.memory_space<vmem_shared>>
        tpu.enqueue_dma source(%dma_start3A_27 : memref<640x128xf32, #tpu.memory_space<vmem_shared>>) target(%dma_start3A_25 : memref<640x128xf32, #tpu.memory_space<hbm>>) target_semaphore(%run_scoped3A : memref<!tpu.dma_semaphore, #tpu.memory_space<semaphore_mem>>)
        %dma_wait3A = arith.constant 0 : i32
        %dma_wait3A_28 = tpu.memref_slice %arg8[%mul3A_24, %dma_wait3A] : memref<10240x128xf32, #tpu.memory_space<hbm>> -> memref<640x128xf32, #tpu.memory_space<hbm>>
        %dma_wait3A_29 = arith.constant 0 : i32
        %dma_wait3A_30 = tpu.memref_slice %arg15[%mul3A_22, %dma_wait3A_29] : memref<10240x128xf32, #tpu.memory_space<vmem_shared>> -> memref<640x128xf32, #tpu.memory_space<vmem_shared>>
        tpu.wait_dma2 semaphore(%run_scoped3A : memref<!tpu.dma_semaphore, #tpu.memory_space<semaphore_mem>>) src(%dma_wait3A_30 : memref<640x128xf32, #tpu.memory_space<vmem_shared>>) dst(%dma_wait3A_28 : memref<640x128xf32, #tpu.memory_space<hbm>>)
        tpu.yield
      }) : () -> ()
    } else {
    }
    return
  }
}

#map = affine_map<(d0, d1) -> (0)>
#map1 = affine_map<(d0, d1) -> (0, 0)>
module attributes {stable_mosaic.version = 14 : i64} {
  func.func @_deg_body(%arg0: i32, %arg1: i32, %arg2: memref<163840xi32, #tpu.memory_space<hbm>>, %arg3: memref<640xf32, #tpu.memory_space<hbm>>, %arg4: memref<5120xf32, #tpu.memory_space<hbm>>, %arg5: memref<2x10240xf32, #tpu.memory_space<hbm>>, %arg6: memref<5120xi32, #tpu.memory_space<vmem>>, %arg7: memref<5120xf32, #tpu.memory_space<vmem>>, %arg8: memref<10240xf32, #tpu.memory_space<vmem_shared>>, %arg9: memref<!tpu.dma_semaphore, #tpu.memory_space<semaphore_mem>>) attributes {dimension_semantics = [#tpu.dimension_semantics<core_parallel>, #tpu.dimension_semantics<subcore_parallel>], iteration_bounds = array<i64: 2, 16>, scalar_prefetch = 0 : i64, scratch_operands = 4 : i64, tpu.core_type = #tpu.core_type<sc_vector_subcore>, window_params = [{transform_indices = #map}, {transform_indices = #map}, {transform_indices = #map}, {transform_indices = #map1}]} {
    %mul3A = arith.constant 16 : i32
    %mul3A_0 = arith.muli %arg0, %mul3A : i32
    %add3A = arith.addi %mul3A_0, %arg1 : i32
    %mul3A_1 = arith.constant 640 : i32
    %mul3A_2 = arith.muli %arg1, %mul3A_1 : i32
    "tpu.region"() ({
      %run_scoped3A = tpu.sem_alloc : memref<!tpu.dma_semaphore, #tpu.memory_space<semaphore_mem>>
      %dma_start3A = tpu.memref_slice %arg8[%mul3A_2] : memref<10240xf32, #tpu.memory_space<vmem_shared>> -> memref<640xf32, #tpu.memory_space<vmem_shared>>
      tpu.enqueue_dma source(%arg3 : memref<640xf32, #tpu.memory_space<hbm>>) target(%dma_start3A : memref<640xf32, #tpu.memory_space<vmem_shared>>) target_semaphore(%run_scoped3A : memref<!tpu.dma_semaphore, #tpu.memory_space<semaphore_mem>>)
      %dma_wait3A = tpu.memref_slice %arg8[%mul3A_2] : memref<10240xf32, #tpu.memory_space<vmem_shared>> -> memref<640xf32, #tpu.memory_space<vmem_shared>>
      tpu.wait_dma2 semaphore(%run_scoped3A : memref<!tpu.dma_semaphore, #tpu.memory_space<semaphore_mem>>) src(%arg3 : memref<640xf32, #tpu.memory_space<hbm>>) dst(%dma_wait3A : memref<640xf32, #tpu.memory_space<vmem_shared>>)
      tpu.yield
    }) : () -> ()
    "tpu.region"() ({
      %run_scoped3A = tpu.sem_alloc : memref<!tpu.dma_semaphore, #tpu.memory_space<semaphore_mem>>
      tpu.enqueue_dma source(%arg4 : memref<5120xf32, #tpu.memory_space<hbm>>) target(%arg7 : memref<5120xf32, #tpu.memory_space<vmem>>) target_semaphore(%run_scoped3A : memref<!tpu.dma_semaphore, #tpu.memory_space<semaphore_mem>>)
      tpu.wait_dma2 semaphore(%run_scoped3A : memref<!tpu.dma_semaphore, #tpu.memory_space<semaphore_mem>>) src(%arg4 : memref<5120xf32, #tpu.memory_space<hbm>>) dst(%arg7 : memref<5120xf32, #tpu.memory_space<vmem>>)
      tpu.yield
    }) : () -> ()
    %mul3A_3 = arith.constant 5120 : i32
    %mul3A_4 = arith.muli %add3A, %mul3A_3 : i32
    "tpu.region"() ({
      %run_scoped3A = tpu.sem_alloc : memref<!tpu.dma_semaphore, #tpu.memory_space<semaphore_mem>>
      %dma_start3A = tpu.memref_slice %arg2[%mul3A_4] : memref<163840xi32, #tpu.memory_space<hbm>> -> memref<5120xi32, #tpu.memory_space<hbm>>
      %dma_start3A_13 = tpu.memref_slice %arg2[%mul3A_4] : memref<163840xi32, #tpu.memory_space<hbm>> -> memref<5120xi32, #tpu.memory_space<hbm>>
      tpu.enqueue_dma source(%dma_start3A_13 : memref<5120xi32, #tpu.memory_space<hbm>>) target(%arg6 : memref<5120xi32, #tpu.memory_space<vmem>>) target_semaphore(%run_scoped3A : memref<!tpu.dma_semaphore, #tpu.memory_space<semaphore_mem>>)
      %dma_wait3A = tpu.memref_slice %arg2[%mul3A_4] : memref<163840xi32, #tpu.memory_space<hbm>> -> memref<5120xi32, #tpu.memory_space<hbm>>
      %dma_wait3A_14 = tpu.memref_slice %arg2[%mul3A_4] : memref<163840xi32, #tpu.memory_space<hbm>> -> memref<5120xi32, #tpu.memory_space<hbm>>
      tpu.wait_dma2 semaphore(%run_scoped3A : memref<!tpu.dma_semaphore, #tpu.memory_space<semaphore_mem>>) src(%dma_wait3A_14 : memref<5120xi32, #tpu.memory_space<hbm>>) dst(%arg6 : memref<5120xi32, #tpu.memory_space<vmem>>)
      tpu.yield
    }) : () -> ()
    %barrier3A = arith.constant 0 : index
    tpu.barrier barrier_id(%barrier3A)
    "tpu.region"() ({
      %run_scoped3A = tpu.sem_alloc : memref<!tpu.dma_semaphore, #tpu.memory_space<semaphore_mem>>
      %dma_start3A = arith.constant 0 : i32
      %dma_start3A_13 = tpu.memref_slice %arg8[%dma_start3A] : memref<10240xf32, #tpu.memory_space<vmem_shared>> -> memref<10240xf32, #tpu.memory_space<vmem_shared>>
      tpu.enqueue_indirect_dma source(%arg7 : memref<5120xf32, #tpu.memory_space<vmem>>) target(%dma_start3A_13 : memref<10240xf32, #tpu.memory_space<vmem_shared>>) offsets(%arg6 : memref<5120xi32, #tpu.memory_space<vmem>>) semaphore(%run_scoped3A : memref<!tpu.dma_semaphore, #tpu.memory_space<semaphore_mem>>) {add = true}
      %dma_wait3A = arith.constant 0 : i32
      %dma_wait3A_14 = tpu.memref_slice %arg8[%dma_wait3A] : memref<10240xf32, #tpu.memory_space<vmem_shared>> -> memref<10240xf32, #tpu.memory_space<vmem_shared>>
      tpu.wait_indirect_dma semaphore(%run_scoped3A : memref<!tpu.dma_semaphore, #tpu.memory_space<semaphore_mem>>) src(%arg7 : memref<5120xf32, #tpu.memory_space<vmem>>) dst(%dma_wait3A_14 : memref<10240xf32, #tpu.memory_space<vmem_shared>>)
      tpu.yield
    }) : () -> ()
    %barrier3A_5 = arith.constant 0 : index
    tpu.barrier barrier_id(%barrier3A_5)
    %eq3A = arith.constant 0 : i32
    %eq3A_6 = arith.cmpi eq, %arg0, %eq3A : i32
    %convert_element_type3A = arith.extui %eq3A_6 : i1 to i32
    %cond3A = arith.constant 0 : i32
    %cond3A_7 = arith.cmpi ne, %convert_element_type3A, %cond3A : i32
    scf.if %cond3A_7 {
      %mul3A_13 = arith.constant 640 : i32
      %mul3A_14 = arith.muli %arg1, %mul3A_13 : i32
      %mul3A_15 = arith.constant 640 : i32
      %mul3A_16 = arith.muli %arg1, %mul3A_15 : i32
      %run_scoped3A = arith.constant 0 : i32
      "tpu.region"() ({
        %run_scoped3A_17 = tpu.sem_alloc : memref<!tpu.dma_semaphore, #tpu.memory_space<semaphore_mem>>
        %dma_start3A = tpu.memref_slice %arg5[%run_scoped3A, %mul3A_16] : memref<2x10240xf32, #tpu.memory_space<hbm>> -> memref<1x640xf32, #tpu.memory_space<hbm>>
        %dma_start3A_18 = tpu.memref_squeeze %dma_start3A : memref<1x640xf32, #tpu.memory_space<hbm>> -> memref<640xf32, #tpu.memory_space<hbm>>
        %dma_start3A_19 = tpu.memref_slice %arg8[%mul3A_14] : memref<10240xf32, #tpu.memory_space<vmem_shared>> -> memref<640xf32, #tpu.memory_space<vmem_shared>>
        tpu.enqueue_dma source(%dma_start3A_19 : memref<640xf32, #tpu.memory_space<vmem_shared>>) target(%dma_start3A_18 : memref<640xf32, #tpu.memory_space<hbm>>) target_semaphore(%run_scoped3A_17 : memref<!tpu.dma_semaphore, #tpu.memory_space<semaphore_mem>>)
        %dma_wait3A = tpu.memref_slice %arg5[%run_scoped3A, %mul3A_16] : memref<2x10240xf32, #tpu.memory_space<hbm>> -> memref<1x640xf32, #tpu.memory_space<hbm>>
        %dma_wait3A_20 = tpu.memref_squeeze %dma_wait3A : memref<1x640xf32, #tpu.memory_space<hbm>> -> memref<640xf32, #tpu.memory_space<hbm>>
        %dma_wait3A_21 = tpu.memref_slice %arg8[%mul3A_14] : memref<10240xf32, #tpu.memory_space<vmem_shared>> -> memref<640xf32, #tpu.memory_space<vmem_shared>>
        tpu.wait_dma2 semaphore(%run_scoped3A_17 : memref<!tpu.dma_semaphore, #tpu.memory_space<semaphore_mem>>) src(%dma_wait3A_21 : memref<640xf32, #tpu.memory_space<vmem_shared>>) dst(%dma_wait3A_20 : memref<640xf32, #tpu.memory_space<hbm>>)
        tpu.yield
      }) : () -> ()
    } else {
    }
    %eq3A_8 = arith.constant 1 : i32
    %eq3A_9 = arith.cmpi eq, %arg0, %eq3A_8 : i32
    %convert_element_type3A_10 = arith.extui %eq3A_9 : i1 to i32
    %cond3A_11 = arith.constant 0 : i32
    %cond3A_12 = arith.cmpi ne, %convert_element_type3A_10, %cond3A_11 : i32
    scf.if %cond3A_12 {
      %mul3A_13 = arith.constant 640 : i32
      %mul3A_14 = arith.muli %arg1, %mul3A_13 : i32
      %mul3A_15 = arith.constant 640 : i32
      %mul3A_16 = arith.muli %arg1, %mul3A_15 : i32
      %run_scoped3A = arith.constant 1 : i32
      "tpu.region"() ({
        %run_scoped3A_17 = tpu.sem_alloc : memref<!tpu.dma_semaphore, #tpu.memory_space<semaphore_mem>>
        %dma_start3A = tpu.memref_slice %arg5[%run_scoped3A, %mul3A_16] : memref<2x10240xf32, #tpu.memory_space<hbm>> -> memref<1x640xf32, #tpu.memory_space<hbm>>
        %dma_start3A_18 = tpu.memref_squeeze %dma_start3A : memref<1x640xf32, #tpu.memory_space<hbm>> -> memref<640xf32, #tpu.memory_space<hbm>>
        %dma_start3A_19 = tpu.memref_slice %arg8[%mul3A_14] : memref<10240xf32, #tpu.memory_space<vmem_shared>> -> memref<640xf32, #tpu.memory_space<vmem_shared>>
        tpu.enqueue_dma source(%dma_start3A_19 : memref<640xf32, #tpu.memory_space<vmem_shared>>) target(%dma_start3A_18 : memref<640xf32, #tpu.memory_space<hbm>>) target_semaphore(%run_scoped3A_17 : memref<!tpu.dma_semaphore, #tpu.memory_space<semaphore_mem>>)
        %dma_wait3A = tpu.memref_slice %arg5[%run_scoped3A, %mul3A_16] : memref<2x10240xf32, #tpu.memory_space<hbm>> -> memref<1x640xf32, #tpu.memory_space<hbm>>
        %dma_wait3A_20 = tpu.memref_squeeze %dma_wait3A : memref<1x640xf32, #tpu.memory_space<hbm>> -> memref<640xf32, #tpu.memory_space<hbm>>
        %dma_wait3A_21 = tpu.memref_slice %arg8[%mul3A_14] : memref<10240xf32, #tpu.memory_space<vmem_shared>> -> memref<640xf32, #tpu.memory_space<vmem_shared>>
        tpu.wait_dma2 semaphore(%run_scoped3A_17 : memref<!tpu.dma_semaphore, #tpu.memory_space<semaphore_mem>>) src(%dma_wait3A_21 : memref<640xf32, #tpu.memory_space<vmem_shared>>) dst(%dma_wait3A_20 : memref<640xf32, #tpu.memory_space<hbm>>)
        tpu.yield
      }) : () -> ()
    } else {
    }
    return
  }
}

module attributes {stable_mosaic.version = 14 : i64} {
  func.func @_mm_body(%arg0: i32, %arg1: memref<2000x2xf32, #tpu.memory_space<vmem>>, %arg2: memref<2000x256xf32, #tpu.memory_space<vmem>>, %arg3: memref<256x256xf32, #tpu.memory_space<vmem>>, %arg4: memref<2000x128xf32, #tpu.memory_space<vmem>>, %arg5: memref<2000x128xf32, #tpu.memory_space<vmem>>) attributes {dimension_semantics = [#tpu.dimension_semantics<arbitrary>], iteration_bounds = array<i64: 5>, scalar_prefetch = 0 : i64, scratch_operands = 0 : i64, tpu.core_type = #tpu.core_type<tc>, window_params = [{transform_indices = @transform_0, window_bounds = array<i64: 2000, 2>}, {transform_indices = @transform_1, window_bounds = array<i64: 2000, 256>}, {pipeline_mode = #tpu.pipeline_mode<synchronous>, transform_indices = @transform_2, window_bounds = array<i64: 256, 256>}, {transform_indices = @transform_3, window_bounds = array<i64: 2000, 128>}, {transform_indices = @transform_4, window_bounds = array<i64: 2000, 128>}]} {
    %get3A = arith.constant 0 : index
    %get3A_0 = arith.constant 0 : index
    %get3A_1 = vector.load %arg1[%get3A, %get3A_0] : memref<2000x2xf32, #tpu.memory_space<vmem>>, vector<2000x1xf32>
    %get3A_2 = arith.constant 0 : index
    %get3A_3 = arith.constant 1 : index
    %get3A_4 = vector.load %arg1[%get3A_2, %get3A_3] : memref<2000x2xf32, #tpu.memory_space<vmem>>, vector<2000x1xf32>
    %add3A = arith.addf %get3A_1, %get3A_4 : vector<2000x1xf32>
    %add3A_5 = arith.constant 1.000000e+00 : f32
    %add3A_6 = vector.broadcast %add3A_5 : f32 to vector<2000x1xf32>
    %add3A_7 = arith.addf %add3A, %add3A_6 : vector<2000x1xf32>
    %rsqrt3A = math.rsqrt %add3A_7 : vector<2000x1xf32>
    %get3A_8 = arith.constant 0 : index
    %get3A_9 = arith.constant 0 : index
    %get3A_10 = vector.load %arg2[%get3A_8, %get3A_9] : memref<2000x256xf32, #tpu.memory_space<vmem>>, vector<2000x256xf32>
    %convert_element_type3A = arith.truncf %get3A_10 : vector<2000x256xf32> to vector<2000x256xbf16>
    %get3A_11 = arith.constant 0 : index
    %get3A_12 = arith.constant 0 : index
    %get3A_13 = vector.load %arg3[%get3A_11, %get3A_12] : memref<256x256xf32, #tpu.memory_space<vmem>>, vector<256x256xf32>
    %convert_element_type3A_14 = arith.truncf %get3A_13 : vector<256x256xf32> to vector<256x256xbf16>
    %dot_general3A = arith.constant dense<0.000000e+00> : vector<2000x256xf32>
    %dot_general3A_15 = tpu.matmul %convert_element_type3A, %convert_element_type3A_14, %dot_general3A {dimension_numbers = #tpu.dot_dimension_numbers<[1], [0], [0], [1], [0, 0, 1, 1], [], []>, transpose_lhs_hint = false} : vector<2000x256xbf16>, vector<256x256xbf16>, vector<2000x256xf32> -> vector<2000x256xf32>
    %mul3A = vector.broadcast %rsqrt3A : vector<2000x1xf32> to vector<2000x256xf32>
    %mul3A_16 = arith.mulf %dot_general3A_15, %mul3A : vector<2000x256xf32>
    %slice3A = vector.extract_strided_slice %mul3A_16 {offsets = [0, 0], sizes = [2000, 128], strides = [1, 1]} : vector<2000x256xf32> to vector<2000x128xf32>
    %swap3A = arith.constant 0 : index
    %swap3A_17 = arith.constant 0 : index
    %swap3A_18 = vector.load %arg4[%swap3A, %swap3A_17] : memref<2000x128xf32, #tpu.memory_space<vmem>>, vector<2000x128xf32>
    tpu.vector_store %arg4[%swap3A, %swap3A_17], %slice3A {strides = array<i32>} : memref<2000x128xf32, #tpu.memory_space<vmem>>, vector<2000x128xf32>,
    %slice3A_19 = vector.extract_strided_slice %mul3A_16 {offsets = [0, 128], sizes = [2000, 128], strides = [1, 1]} : vector<2000x256xf32> to vector<2000x128xf32>
    %swap3A_20 = arith.constant 0 : index
    %swap3A_21 = arith.constant 0 : index
    %swap3A_22 = vector.load %arg5[%swap3A_20, %swap3A_21] : memref<2000x128xf32, #tpu.memory_space<vmem>>, vector<2000x128xf32>
    tpu.vector_store %arg5[%swap3A_20, %swap3A_21], %slice3A_19 {strides = array<i32>} : memref<2000x128xf32, #tpu.memory_space<vmem>>, vector<2000x128xf32>,
    return
  }
  func.func @transform_0(%arg0: i32) -> (i32, i32) {
    %c0_i32 = arith.constant 0 : i32
    %c0_i32_0 = arith.constant 0 : i32
    return %arg0, %c0_i32 : i32, i32
  }
  func.func @transform_1(%arg0: i32) -> (i32, i32) {
    %c0_i32 = arith.constant 0 : i32
    %c0_i32_0 = arith.constant 0 : i32
    return %arg0, %c0_i32 : i32, i32
  }
  func.func @transform_2(%arg0: i32) -> (i32, i32) {
    %c0_i32 = arith.constant 0 : i32
    %c0_i32_0 = arith.constant 0 : i32
    %c0_i32_1 = arith.constant 0 : i32
    return %c0_i32, %c0_i32_0 : i32, i32
  }
  func.func @transform_3(%arg0: i32) -> (i32, i32) {
    %c0_i32 = arith.constant 0 : i32
    %c0_i32_0 = arith.constant 0 : i32
    return %arg0, %c0_i32 : i32, i32
  }
  func.func @transform_4(%arg0: i32) -> (i32, i32) {
    %c0_i32 = arith.constant 0 : i32
    %c0_i32_0 = arith.constant 0 : i32
    return %arg0, %c0_i32 : i32, i32
  }
}

module attributes {stable_mosaic.version = 14 : i64} {
  func.func @_pool_body(%arg0: i32, %arg1: memref<1x1x2000xi32, #tpu.memory_space<vmem>>, %arg2: memref<2000x2xf32, #tpu.memory_space<vmem>>, %arg3: memref<2000x128xf32, #tpu.memory_space<vmem>>, %arg4: memref<2000x128xf32, #tpu.memory_space<vmem>>, %arg5: memref<2000x128xf32, #tpu.memory_space<vmem>>, %arg6: memref<2000x128xf32, #tpu.memory_space<vmem>>, %arg7: memref<1x256xf32, #tpu.memory_space<vmem>>, %arg8: memref<128x256xf32, #tpu.memory_space<vmem>>, %arg9: memref<128x1xf32, #tpu.memory_space<vmem>>) attributes {dimension_semantics = [#tpu.dimension_semantics<arbitrary>], iteration_bounds = array<i64: 5>, scalar_prefetch = 0 : i64, scratch_operands = 1 : i64, tpu.core_type = #tpu.core_type<tc>, window_params = [{transform_indices = @transform_0, window_bounds = array<i64: 1, 1, 2000>}, {transform_indices = @transform_1, window_bounds = array<i64: 2000, 2>}, {transform_indices = @transform_2, window_bounds = array<i64: 2000, 128>}, {transform_indices = @transform_3, window_bounds = array<i64: 2000, 128>}, {transform_indices = @transform_4, window_bounds = array<i64: 2000, 128>}, {transform_indices = @transform_5, window_bounds = array<i64: 2000, 128>}, {pipeline_mode = #tpu.pipeline_mode<synchronous>, transform_indices = @transform_6, window_bounds = array<i64: 1, 256>}, {pipeline_mode = #tpu.pipeline_mode<synchronous>, transform_indices = @transform_7, window_bounds = array<i64: 128, 256>}]} {
    %eq3A = arith.constant 0 : i32
    %eq3A_0 = arith.cmpi eq, %arg0, %eq3A : i32
    %convert_element_type3A = arith.extui %eq3A_0 : i1 to i32
    %cond3A = arith.constant 0 : i32
    %cond3A_1 = arith.cmpi ne, %convert_element_type3A, %cond3A : i32
    scf.if %cond3A_1 {
      %broadcast_in_dim3A_84 = arith.constant 0.000000e+00 : f32
      %broadcast_in_dim3A_85 = vector.broadcast %broadcast_in_dim3A_84 : f32 to vector<128x256xf32>
      %swap3A_86 = arith.constant 0 : index
      %swap3A_87 = arith.constant 0 : index
      %swap3A_88 = vector.load %arg8[%swap3A_86, %swap3A_87] : memref<128x256xf32, #tpu.memory_space<vmem>>, vector<128x256xf32>
      tpu.vector_store %arg8[%swap3A_86, %swap3A_87], %broadcast_in_dim3A_85 {strides = array<i32>} : memref<128x256xf32, #tpu.memory_space<vmem>>, vector<128x256xf32>,
      %broadcast_in_dim3A_89 = arith.constant 0.000000e+00 : f32
      %broadcast_in_dim3A_90 = vector.broadcast %broadcast_in_dim3A_89 : f32 to vector<128x1xf32>
      %swap3A_91 = arith.constant 0 : index
      %swap3A_92 = arith.constant 0 : index
      %swap3A_93 = vector.load %arg9[%swap3A_91, %swap3A_92] : memref<128x1xf32, #tpu.memory_space<vmem>>, vector<128x1xf32>
      tpu.vector_store %arg9[%swap3A_91, %swap3A_92], %broadcast_in_dim3A_90 {strides = array<i32>} : memref<128x1xf32, #tpu.memory_space<vmem>>, vector<128x1xf32>,
    } else {
    }
    %get3A = arith.constant 0 : index
    %get3A_2 = arith.constant 0 : index
    %get3A_3 = vector.load %arg2[%get3A, %get3A_2] : memref<2000x2xf32, #tpu.memory_space<vmem>>, vector<2000x1xf32>
    %get3A_4 = arith.constant 0 : index
    %get3A_5 = arith.constant 1 : index
    %get3A_6 = vector.load %arg2[%get3A_4, %get3A_5] : memref<2000x2xf32, #tpu.memory_space<vmem>>, vector<2000x1xf32>
    %add3A = arith.addf %get3A_3, %get3A_6 : vector<2000x1xf32>
    %add3A_7 = arith.constant 1.000000e+00 : f32
    %add3A_8 = vector.broadcast %add3A_7 : f32 to vector<2000x1xf32>
    %add3A_9 = arith.addf %add3A, %add3A_8 : vector<2000x1xf32>
    %rsqrt3A = math.rsqrt %add3A_9 : vector<2000x1xf32>
    %get3A_10 = arith.constant 0 : index
    %get3A_11 = arith.constant 0 : index
    %get3A_12 = vector.load %arg3[%get3A_10, %get3A_11] : memref<2000x128xf32, #tpu.memory_space<vmem>>, vector<2000x128xf32>
    %get3A_13 = arith.constant 0 : index
    %get3A_14 = arith.constant 0 : index
    %get3A_15 = vector.load %arg5[%get3A_13, %get3A_14] : memref<2000x128xf32, #tpu.memory_space<vmem>>, vector<2000x128xf32>
    %add3A_16 = arith.addf %get3A_12, %get3A_15 : vector<2000x128xf32>
    %mul3A = vector.broadcast %rsqrt3A : vector<2000x1xf32> to vector<2000x128xf32>
    %mul3A_17 = arith.mulf %mul3A, %add3A_16 : vector<2000x128xf32>
    %get3A_18 = arith.constant 0 : index
    %get3A_19 = arith.constant 0 : index
    %get3A_20 = vector.load %arg7[%get3A_18, %get3A_19] : memref<1x256xf32, #tpu.memory_space<vmem>>, vector<1x128xf32>
    %add3A_21 = vector.broadcast %get3A_20 : vector<1x128xf32> to vector<2000x128xf32>
    %add3A_22 = arith.addf %mul3A_17, %add3A_21 : vector<2000x128xf32>
    %max3A = arith.constant 0.000000e+00 : f32
    %max3A_23 = vector.broadcast %max3A : f32 to vector<2000x128xf32>
    %max3A_24 = arith.maximumf %add3A_22, %max3A_23 : vector<2000x128xf32>
    %get3A_25 = arith.constant 0 : index
    %get3A_26 = arith.constant 0 : index
    %get3A_27 = vector.load %arg4[%get3A_25, %get3A_26] : memref<2000x128xf32, #tpu.memory_space<vmem>>, vector<2000x128xf32>
    %get3A_28 = arith.constant 0 : index
    %get3A_29 = arith.constant 0 : index
    %get3A_30 = vector.load %arg6[%get3A_28, %get3A_29] : memref<2000x128xf32, #tpu.memory_space<vmem>>, vector<2000x128xf32>
    %add3A_31 = arith.addf %get3A_27, %get3A_30 : vector<2000x128xf32>
    %mul3A_32 = vector.broadcast %rsqrt3A : vector<2000x1xf32> to vector<2000x128xf32>
    %mul3A_33 = arith.mulf %mul3A_32, %add3A_31 : vector<2000x128xf32>
    %get3A_34 = arith.constant 0 : index
    %get3A_35 = arith.constant 128 : index
    %get3A_36 = vector.load %arg7[%get3A_34, %get3A_35] : memref<1x256xf32, #tpu.memory_space<vmem>>, vector<1x128xf32>
    %add3A_37 = vector.broadcast %get3A_36 : vector<1x128xf32> to vector<2000x128xf32>
    %add3A_38 = arith.addf %mul3A_33, %add3A_37 : vector<2000x128xf32>
    %max3A_39 = arith.constant 0.000000e+00 : f32
    %max3A_40 = vector.broadcast %max3A_39 : f32 to vector<2000x128xf32>
    %max3A_41 = arith.maximumf %add3A_38, %max3A_40 : vector<2000x128xf32>
    %get3A_42 = arith.constant 0 : index
    %get3A_43 = arith.constant 0 : index
    %get3A_44 = arith.constant 0 : index
    %get3A_45 = vector.load %arg1[%get3A_42, %get3A_43, %get3A_44] : memref<1x1x2000xi32, #tpu.memory_space<vmem>>, vector<1x1x2000xi32>
    %get3A_46 = vector.shape_cast %get3A_45 : vector<1x1x2000xi32> to vector<1x2000xi32>
    %iota3A = tpu.iota {dimensions = array<i32: 0>} : vector<128x2000xi32>
    %eq3A_47 = vector.broadcast %get3A_46 : vector<1x2000xi32> to vector<128x2000xi32>
    %eq3A_48 = arith.cmpi eq, %iota3A, %eq3A_47 : vector<128x2000xi32>
    %convert_element_type3A_49 = arith.extui %eq3A_48 : vector<128x2000xi1> to vector<128x2000xi32>
    %convert_element_type3A_50 = arith.sitofp %convert_element_type3A_49 : vector<128x2000xi32> to vector<128x2000xf32>
    %convert_element_type3A_51 = arith.truncf %convert_element_type3A_50 : vector<128x2000xf32> to vector<128x2000xbf16>
    %get3A_52 = arith.constant 0 : index
    %get3A_53 = arith.constant 0 : index
    %get3A_54 = vector.load %arg8[%get3A_52, %get3A_53] : memref<128x256xf32, #tpu.memory_space<vmem>>, vector<128x128xf32>
    %convert_element_type3A_55 = arith.truncf %max3A_24 : vector<2000x128xf32> to vector<2000x128xbf16>
    %dot_general3A = arith.constant dense<0.000000e+00> : vector<128x128xf32>
    %dot_general3A_56 = tpu.matmul %convert_element_type3A_51, %convert_element_type3A_55, %dot_general3A {dimension_numbers = #tpu.dot_dimension_numbers<[1], [0], [0], [1], [0, 0, 1, 1], [], []>, transpose_lhs_hint = false} : vector<128x2000xbf16>, vector<2000x128xbf16>, vector<128x128xf32> -> vector<128x128xf32>
    %add3A_57 = arith.addf %get3A_54, %dot_general3A_56 : vector<128x128xf32>
    %swap3A = arith.constant 0 : index
    %swap3A_58 = arith.constant 0 : index
    %swap3A_59 = vector.load %arg8[%swap3A, %swap3A_58] : memref<128x256xf32, #tpu.memory_space<vmem>>, vector<128x128xf32>
    tpu.vector_store %arg8[%swap3A, %swap3A_58], %add3A_57 {strides = array<i32>} : memref<128x256xf32, #tpu.memory_space<vmem>>, vector<128x128xf32>,
    %get3A_60 = arith.constant 0 : index
    %get3A_61 = arith.constant 128 : index
    %get3A_62 = vector.load %arg8[%get3A_60, %get3A_61] : memref<128x256xf32, #tpu.memory_space<vmem>>, vector<128x128xf32>
    %convert_element_type3A_63 = arith.truncf %max3A_41 : vector<2000x128xf32> to vector<2000x128xbf16>
    %dot_general3A_64 = arith.constant dense<0.000000e+00> : vector<128x128xf32>
    %dot_general3A_65 = tpu.matmul %convert_element_type3A_51, %convert_element_type3A_63, %dot_general3A_64 {dimension_numbers = #tpu.dot_dimension_numbers<[1], [0], [0], [1], [0, 0, 1, 1], [], []>, transpose_lhs_hint = false} : vector<128x2000xbf16>, vector<2000x128xbf16>, vector<128x128xf32> -> vector<128x128xf32>
    %add3A_66 = arith.addf %get3A_62, %dot_general3A_65 : vector<128x128xf32>
    %swap3A_67 = arith.constant 0 : index
    %swap3A_68 = arith.constant 128 : index
    %swap3A_69 = vector.load %arg8[%swap3A_67, %swap3A_68] : memref<128x256xf32, #tpu.memory_space<vmem>>, vector<128x128xf32>
    tpu.vector_store %arg8[%swap3A_67, %swap3A_68], %add3A_66 {strides = array<i32>} : memref<128x256xf32, #tpu.memory_space<vmem>>, vector<128x128xf32>,
    %get3A_70 = arith.constant 0 : index
    %get3A_71 = arith.constant 0 : index
    %get3A_72 = vector.load %arg9[%get3A_70, %get3A_71] : memref<128x1xf32, #tpu.memory_space<vmem>>, vector<128x1xf32>
    %convert_element_type3A_73 = arith.extf %convert_element_type3A_51 : vector<128x2000xbf16> to vector<128x2000xf32>
    %reduce_sum3A = arith.constant dense<0.000000e+00> : vector<128xf32>
    %reduce_sum3A_74 = vector.multi_reduction <add>, %convert_element_type3A_73, %reduce_sum3A [1] : vector<128x2000xf32> to vector<128xf32>
    %broadcast_in_dim3A = vector.shape_cast %reduce_sum3A_74 : vector<128xf32> to vector<128x1xf32>
    %add3A_75 = arith.addf %get3A_72, %broadcast_in_dim3A : vector<128x1xf32>
    %swap3A_76 = arith.constant 0 : index
    %swap3A_77 = arith.constant 0 : index
    %swap3A_78 = vector.load %arg9[%swap3A_76, %swap3A_77] : memref<128x1xf32, #tpu.memory_space<vmem>>, vector<128x1xf32>
    tpu.vector_store %arg9[%swap3A_76, %swap3A_77], %add3A_75 {strides = array<i32>} : memref<128x1xf32, #tpu.memory_space<vmem>>, vector<128x1xf32>,
    %eq3A_79 = arith.constant 4 : i32
    %eq3A_80 = arith.cmpi eq, %arg0, %eq3A_79 : i32
    %convert_element_type3A_81 = arith.extui %eq3A_80 : i1 to i32
    %cond3A_82 = arith.constant 0 : i32
    %cond3A_83 = arith.cmpi ne, %convert_element_type3A_81, %cond3A_82 : i32
    scf.if %cond3A_83 {
      %get3A_84 = arith.constant 0 : index
      %get3A_85 = arith.constant 0 : index
      %get3A_86 = vector.load %arg8[%get3A_84, %get3A_85] : memref<128x256xf32, #tpu.memory_space<vmem>>, vector<128x256xf32>
      %get3A_87 = arith.constant 0 : index
      %get3A_88 = arith.constant 0 : index
      %get3A_89 = vector.load %arg9[%get3A_87, %get3A_88] : memref<128x1xf32, #tpu.memory_space<vmem>>, vector<128x1xf32>
      %max3A_90 = arith.constant 1.000000e+00 : f32
      %max3A_91 = vector.broadcast %max3A_90 : f32 to vector<128x1xf32>
      %max3A_92 = arith.maximumf %get3A_89, %max3A_91 : vector<128x1xf32>
      %div3A = vector.broadcast %max3A_92 : vector<128x1xf32> to vector<128x256xf32>
      %div3A_93 = arith.divf %get3A_86, %div3A : vector<128x256xf32>
      %swap3A_94 = arith.constant 0 : index
      %swap3A_95 = arith.constant 0 : index
      %swap3A_96 = vector.load %arg8[%swap3A_94, %swap3A_95] : memref<128x256xf32, #tpu.memory_space<vmem>>, vector<128x256xf32>
      tpu.vector_store %arg8[%swap3A_94, %swap3A_95], %div3A_93 {strides = array<i32>} : memref<128x256xf32, #tpu.memory_space<vmem>>, vector<128x256xf32>,
    } else {
    }
    return
  }
  func.func @transform_0(%arg0: i32) -> (i32, i32, i32) {
    %c0_i32 = arith.constant 0 : i32
    %c0_i32_0 = arith.constant 0 : i32
    %c0_i32_1 = arith.constant 0 : i32
    return %arg0, %c0_i32, %c0_i32_0 : i32, i32, i32
  }
  func.func @transform_1(%arg0: i32) -> (i32, i32) {
    %c0_i32 = arith.constant 0 : i32
    %c0_i32_0 = arith.constant 0 : i32
    return %arg0, %c0_i32 : i32, i32
  }
  func.func @transform_2(%arg0: i32) -> (i32, i32) {
    %c0_i32 = arith.constant 0 : i32
    %c0_i32_0 = arith.constant 0 : i32
    return %arg0, %c0_i32 : i32, i32
  }
  func.func @transform_3(%arg0: i32) -> (i32, i32) {
    %c0_i32 = arith.constant 0 : i32
    %c0_i32_0 = arith.constant 0 : i32
    return %arg0, %c0_i32 : i32, i32
  }
  func.func @transform_4(%arg0: i32) -> (i32, i32) {
    %c0_i32 = arith.constant 0 : i32
    %c0_i32_0 = arith.constant 0 : i32
    return %arg0, %c0_i32 : i32, i32
  }
  func.func @transform_5(%arg0: i32) -> (i32, i32) {
    %c0_i32 = arith.constant 0 : i32
    %c0_i32_0 = arith.constant 0 : i32
    return %arg0, %c0_i32 : i32, i32
  }
  func.func @transform_6(%arg0: i32) -> (i32, i32) {
    %c0_i32 = arith.constant 0 : i32
    %c0_i32_0 = arith.constant 0 : i32
    %c0_i32_1 = arith.constant 0 : i32
    return %c0_i32, %c0_i32_0 : i32, i32
  }
  func.func @transform_7(%arg0: i32) -> (i32, i32) {
    %c0_i32 = arith.constant 0 : i32
    %c0_i32_0 = arith.constant 0 : i32
    %c0_i32_1 = arith.constant 0 : i32
    return %c0_i32, %c0_i32_0 : i32, i32
  }
}

</mosaic_0001>

<sc_bundles>
// kernel: kernel.6.cloned.1.call-start
scs
__scs_entry_jumppad:
0x0: {  	(pc) =	sbr.rel $0x88, $3  }
0x1: {  	(tag) =	ssettag $0x0;
	lr =	simm.s32 $0x1  }
0x2: {  	[smem:$0x3F9C] =	sst lr;
	_ =	strace $0xD0000000  }
0x3: {  	_ = 	snop  }
0x4: {  	_ = 	snop  }
0x5: {  	_ = 	snop  }
0x6: {  	_ = 	snop  }
0x7: {  	_ = 	snop  }
__scs_overlays_trampoline_lowered:
0x8: {  	[smem:$0x3FAB] =	sst s0  }
0x9: {  	[smem:$0x3FAC] =	sst s1  }
0xa: {  	[smem:$0x3FAD] =	sst s2  }
0xb: {  	[smem:$0x3FAE] =	sst s3  }
0xc: {  	[smem:$0x3FAF] =	sst s4  }
0xd: {  	[smem:$0x3FB0] =	sst s5  }
0xe: {  	[smem:$0x3FB1] =	sst s6  }
0xf: {  	[smem:$0x3FB2] =	sst s7  }
0x10: {  	[smem:$0x3FB3] =	sst s8  }
0x11: {  	[smem:$0x3FB4] =	sst s9;
	s0 =	simm.s32 @!p0 $0x0  }
0x12: {  	s1 =	sld [smem:$0x3F9A];
	s0 =	simm.s32 @p0 $0x1  }
0x13: {  	[smem:$0x3FB5] =	sst s0;
	s0 =	simm.s32 @!p1 $0x0  }
0x14: {  	s2 =	sld [smem:$0x3F99];
	s0 =	simm.s32 @p1 $0x1  }
0x15: {  	[smem:$0x3FB6] =	sst s0;
	s0 =	simm.s32 @!p2 $0x0  }
0x16: {  	s3 =	sld [smem:$0x3FDB];
	s0 =	simm.s32 @p2 $0x1  }
0x17: {  	s4 =	simm.s32 $0x1BF5;
	[smem:$0x3FB8] =	sst s0  }
0x18: {  	s0 =	sld [smem:$0x3F9B];
	_ =	swait.ge [sflag:s4], $0x0  }
0x19: {  	s7 =	sld [smem:$0x3F9C]  }
0x1a: {  	s8 =	sadd.s32 $0xFFFFE003, lr  }
0x1b: {  	s9 =	sadd.s32 $0xFFFFFEF7, lr;
	s5 =	simm.s32 $0xFFFFFFFF;
	p2 =	slt.u32 s8, $0xFFFFF086  }
0x1c: {  	p1 =	slt.u32 s9, $0xF7A;
	s5 =	simm.s32 @!p2 $0x0  }
0x1d: {  	s5 =	simm.s32 @p1 $0x1;
	p0 =	seq.s32 s7, s2  }
0x1e: {  	s7 =	smul.u32 @!p0 $0xF7A, s2;
	p2 =	seq.s32 @!p0 s5, $0x0  }
0x1f: {  	s9 =	smul.u32 $0xF7A, s1;
	s8 =	simm.s32 @!p0 $0x1BF5;
	p2 =	por !p2, p0  }
0x20: {  	[sflag:s8] =	ssyncset.s32 @!p0 $0xFFFFF086;
	s6 =	sadd.s32 @!p0 s3, s7;
	s7 =	simm.s32 @!p0 $0x108  }
0x21: {  	s3 =	sadd.s32 s3, s9;
	s6 =	sadd.s32 @!p0 $0x88, s6;
	s7 =	simm.s32 @p2 $0x1082  }
0x22: {  	[simem:s7], [sflag:s8] =	dma.local @!p0 [hbm:s6], $0xF7A  }
0x23: {  	s9 =	sor.u32 $0xD0000000, s2;
	s6 =	simm.s32 $0x108;
	_ =	swait.ge @!p0 [sflag:s8], $0x0  }
0x24: {  	s3 =	sadd.s32 $0x88, s3;
	s6 =	simm.s32 @!p1 $0x1082;
	[sflag:s4] =	ssyncset.s32 $0xFFFFF086  }
0x25: {  	[simem:s6], [sflag:s4] =	dma.local [hbm:s3], $0xF7A  }
0x26: {  	[smem:$0x3F9C] =	sst s1;
	(tag) =	ssettag s2;
	_ =	strace s9  }
0x27: {  	s1 =	sld [smem:$0x3FAC]  }
0x28: {  	s2 =	sld [smem:$0x3FAD]  }
0x29: {  	s4 =	sld [smem:$0x3FAF]  }
0x2a: {  	p0 =	seq.s32 s5, $0x0;
	s5 =	sld [smem:$0x3FB0]  }
0x2b: {  	s6 =	sld [smem:$0x3FB1]  }
0x2c: {  	s7 =	sld [smem:$0x3FB2]  }
0x2d: {  	s3 =	simm.s32 $0x108;
	s8 =	sld [smem:$0x3FB3]  }
0x2e: {  	s3 =	simm.s32 @!p0 $0x1082;
	s9 =	sld [smem:$0x3FB4]  }
0x2f: {  	lr =	sadd.s32 s0, s3;
	s0 =	sld [smem:$0x3FAB]  }
0x30: {  	s3 =	sld [smem:$0x3FAE]  }
0x31: {  	[smem:$0x3FB7] =	sst s10  }
0x32: {  	s10 =	sld [smem:$0x3FB5];
	_ =	sdelay $0x3  }
0x33: {  	p0 =	seq.s32 s10, $0x1;
	s10 =	sld [smem:$0x3FB7];
	_ =	sdelay $0x3  }
0x34: {  	[smem:$0x3FB7] =	sst s10  }
0x35: {  	s10 =	sld [smem:$0x3FB6];
	_ =	sdelay $0x3  }
0x36: {  	p1 =	seq.s32 s10, $0x1;
	s10 =	sld [smem:$0x3FB7];
	_ =	sdelay $0x3  }
0x37: {  	[smem:$0x3FB7] =	sst s10  }
0x38: {  	s10 =	sld [smem:$0x3FB8]  }
0x39: {  	_ = 	snop;
	(pc) =	sbr.ind lr, $3  }
0x3a: {  	_ = 	snop  }
0x3b: {  	_ = 	snop  }
0x3c: {  	p2 =	seq.s32 s10, $0x1;
	s10 =	sld [smem:$0x3FB7]  }
0x3d: {  	_ =	shalt  }
0x3e: {  	_ =	shalt  }
0x3f: {  	_ =	shalt  }
0x40: {  	_ =	shalt  }
0x41: {  	_ =	shalt  }
0x42: {  	_ =	shalt  }
0x43: {  	_ =	shalt  }
0x44: {  	_ =	shalt  }
0x45: {  	_ =	shalt  }
0x46: {  	_ =	shalt  }
0x47: {  	_ =	shalt  }
0x48: {  	_ =	shalt  }
0x49: {  	_ =	shalt  }
0x4a: {  	_ =	shalt  }
0x4b: {  	_ =	shalt  }
0x4c: {  	_ =	shalt  }
0x4d: {  	_ =	shalt  }
0x4e: {  	_ =	shalt  }
0x4f: {  	_ =	shalt  }
0x50: {  	_ =	shalt  }
0x51: {  	_ =	shalt  }
0x52: {  	_ =	shalt  }
0x53: {  	_ =	shalt  }
0x54: {  	_ =	shalt  }
0x55: {  	_ =	shalt  }
0x56: {  	_ =	shalt  }
0x57: {  	_ =	shalt  }
0x58: {  	_ =	shalt  }
0x59: {  	_ =	shalt  }
0x5a: {  	_ =	shalt  }
0x5b: {  	_ =	shalt  }
0x5c: {  	_ =	shalt  }
0x5d: {  	_ =	shalt  }
0x5e: {  	_ =	shalt  }
0x5f: {  	_ =	shalt  }
0x60: {  	_ =	shalt  }
0x61: {  	_ =	shalt  }
0x62: {  	_ =	shalt  }
0x63: {  	_ =	shalt  }
0x64: {  	_ =	shalt  }
0x65: {  	_ =	shalt  }
0x66: {  	_ =	shalt  }
0x67: {  	_ =	shalt  }
0x68: {  	_ =	shalt  }
0x69: {  	_ =	shalt  }
0x6a: {  	_ =	shalt  }
0x6b: {  	_ =	shalt  }
0x6c: {  	_ =	shalt  }
0x6d: {  	_ =	shalt  }
0x6e: {  	_ =	shalt  }
0x6f: {  	_ =	shalt  }
0x70: {  	_ =	shalt  }
0x71: {  	_ =	shalt  }
0x72: {  	_ =	shalt  }
0x73: {  	_ =	shalt  }
0x74: {  	_ =	shalt  }
0x75: {  	_ =	shalt  }
0x76: {  	_ =	shalt  }
0x77: {  	_ =	shalt  }
0x78: {  	_ =	shalt  }
0x79: {  	_ =	shalt  }
0x7a: {  	_ =	shalt  }
0x7b: {  	_ =	shalt  }
0x7c: {  	_ =	shalt  }
0x7d: {  	_ =	shalt  }
0x7e: {  	_ =	shalt  }
0x7f: {  	_ =	shalt  }
0x80: {  	_ =	shalt  }
0x81: {  	_ =	shalt  }
0x82: {  	_ =	shalt  }
0x83: {  	_ =	shalt  }
0x84: {  	_ =	shalt  }
0x85: {  	_ =	shalt  }
0x86: {  	_ =	shalt  }
0x87: {  	_ =	shalt  }
.Lfunc_end0:
.L_simem_size_0:
called_computation_lowered:
.L_overlay_start_0:
0x88: {  	s2 =	sld [smem:$0x3FD9]  }
0x89: {  	s3 =	sld [smem:$0x3FFE];
	_ =	sdelay $0x1  }
0x8a: {  	s1 =	srdreg.scid  }
0x8b: {  	s0 =	sand.u32 $0x1, s1  }
0x8c: {  	s17 =	sshll.u32 s0, $0xA;
	s2 =	sadd.s32 s3, s2  }
0x8d: {  	s2 =	sadd.s32 s2, s17  }
0x8e: {  	[smem:$0x3FC3] =	sst s2  }
0x8f: {  	_ = 	snop  }
0x90: {  	s2 =	sld [smem:$0x3FD0];
	(tm) =	ssettm $0x1  }
0x91: {  	s18 =	sld [smem:$0x3FFB];
	_ =	sdelay $0x3  }
0x92: {  	_ =	strace s18  }
0x93: {  	s3 =	sld [smem:$0x3FFC];
	_ =	sdelay $0x3  }
0x94: {  	_ =	strace s3  }
0x95: {  	s3 =	sld [smem:$0x3FFD];
	_ =	sdelay $0x3  }
0x96: {  	_ =	strace s3  }
0x97: {  	_ =	strace $0x8FFFFFFF  }
0x98: {  	s19 =	sld [smem:$0x3FDB];
	_ =	sdelay $0x1  }
0x99: {  	s4 =	simm.s32 $_scs_section_size  }
0x9a: {  	s5 =	simm.s32 $_size__tile_overlayer_lowered;
	s6 =	simm.s32 $_tile_overlayer_lowered  }
0x9b: {  	s22 =	simm.s32 $0x1BFF;
	s21 =	sshll.u32 s6, $0x1;
	s3 =	sadd.s32 s4, s19  }
0x9c: {  	s7 =	simm.s32 $0x0;
	s20 =	sshll.u32 s5, $0x1;
	s5 =	sadd.s32 s21, s3  }
0x9d: {  	[timem:s7], [sflag:s22] =	dma.local [hbm:s5], s20  }
0x9e: {  	_ =	swait.ge [sflag:s22], s20  }
0x9f: {  	s4 =	ssub.s32 $0x0, s20;
	[sflag:s22] =	ssyncset.done $0x0  }
0xa0: {  	[sflag:s22] =	ssyncadd.s32 s4;
	_ =	sdelay $0x1  }
0xa1: {  	s23 =	simm.s32 $0x1B8B  }
0xa2: {  	_ =	swait.ge [sflag:s23], $0x1  }
0xa3: {  	[sflag:s23] =	ssyncset.done $0x0  }
0xa4: {  	s25 =	simm.s32 $0x1B8E;
	s24 =	sld [smem:$0x3FFE];
	[sflag:s23] =	ssyncadd.s32 $0xFFFFFFFF  }
0xa5: {  	s26 =	simm.s32 $execute0_lowered;
	[smem:$0x3FD2] =	sst s25  }
0xa6: {  	s5 =	sshll.u32 s26, $0x1;
	_ =	strace $0x80000046;
	[dreg:$0x1] =	wrdreg $0xFFFFFFFF  }
0xa7: {  	s28 =	simm.s32 $_size_execute0_lowered;
	s3 =	sadd.s32 s3, s5;
	[dreg:$0x0] =	wrdreg $0x0  }
0xa8: {  	s5 =	sshll.u32 s28, $0x1;
	[dreg:$0x2] =	wrdreg s3  }
0xa9: {  	[dreg:$0x3] =	wrdreg s5  }
0xaa: {  	[dreg:$0x4] =	wrdreg $0xC0  }
0xab: {  	_ =	task [dreg:s7], $0x5FFFF  }
0xac: {  	[dreg:$0x1] =	wrdreg $0xFFFFFFFF  }
0xad: {  	[dreg:$0x0] =	wrdreg $0x60  }
0xae: {  	[dreg:$0x2] =	wrdreg s24  }
0xaf: {  	[dreg:$0x3] =	wrdreg s2  }
0xb0: {  	[dreg:$0x4] =	wrdreg $0x28000  }
0xb1: {  	[dreg:$0x5] =	wrdreg $0x9  }
0xb2: {  	_ =	task.clear_ibuf [dreg:s7], $0x6FFFF;
	_ =	strace $0x90000046  }
0xb3: {  	s29 =	simm.s32 $0x9;
	_ =	strace $0x80000048  }
0xb4: {  	_ =	swait.ge [sflag:s29], $0x1  }
0xb5: {  	[sflag:s29] =	ssyncadd.s32 $0xFFFFFFFF  }
0xb6: {  	_ =	strace $0x90000048  }
0xb7: {  	_ =	sfence  }
0xb8: {  	s30 =	sld [smem:$0x0];
	_ =	sdelay $0x2  }
0xb9: {  	s31 =	sshll.u32 s1, $0xD;
	s1 =	sshrl.u32 s1, $0x2  }
0xba: {  	s3 =	sand.u32 $0x4000, s31;
	s1 =	sadd.s32 s1, s30  }
0xbb: {  	s0 =	sor.u32 s3, s0;
	s1 =	sshll.u32 s1, $0x11  }
0xbc: {  	s0 =	sor.u32 s1, s0  }
0xbd: {  	s0 =	sadd.s32 $0x8F2B, s0  }
0xbe: {  	[sflag:s0] =	ssyncadd.remote.s32 $0x1  }
0xbf: {  	_ =	sfence.sel $0xFFFF  }
0xc0: {  	[dreg:$0x0] =	wrdreg $0xFFFFFFFF;
	(pc) =	sbr.abs _section_cstart, $3  }
0xc1: {  	[dreg:$0x1] =	wrdreg $0xFFFFFFFF  }
0xc2: {  	_ =	task.clear_ibuf [dreg:s7], $0x2FFFF;
	_ =	strace $0x9FFFFFFF  }
0xc3: {  	(tm) =	ssettm $0x7FFFFFFF  }
tec
execute0_lowered:
.L_overlay_start_1:
0x0: {  	(tag) =	ssettag $0x1  }
0x1: {  	s10 =	rddreg [dreg:$0x0]  }
0x2: {  	s11 =	rddreg [dreg:$0x1]  }
0x3: {  	s2 =	rddreg [dreg:$0x2];
	s1 =	stileid.u32  }
0x4: {  	s0 =	rddreg [dreg:$0x3];
	s3 =	simm.s32 $0x0;
	s4 =	smul.u32 $0xA00, s1  }
0x5: {  	s12 =	srdreg.scid;
	[smem:$0x7FF] =	sst s3  }
0x6: {  	s13 =	sand.u32 $0x1, s12;
	s30 =	sshll.u32 s1, $0x6;
	s5 =	sshrl.u32 s4, $0x2  }
0x7: {  	_ =	strace $0x80000047;
	s4 =	sadd.s32 $0xC000, s10;
	s6 =	sadd.s32 s5, s2  }
0x8: {  	s5 =	sor.u32 $0x1C01, s30;
	s7 =	sshrl.u32 s6, $0x3;
	s6 =	simm.s32 $0x1  }
0x9: {  	[spmem:s7], [sflag:s5] =	dma.local [hbm:s4], $0x50  }
0xa: {  	s8 =	sshll.u32 s13, $0x4;
	_ =	swait.ge [sflag:s6], $0x50  }
0xb: {  	s9 =	simm.s32 $0x1400;
	s8 =	sor.u32 s1, s8;
	[sflag:s6] =	ssyncset.done $0x0  }
0xc: {  	s14 =	smul.u32 $0x280, s8;
	s8 =	sadd.s32 $0xBC00, s10;
	[sflag:s6] =	ssyncadd.s32 $0xFFFFFFB0  }
0xd: {  	[tilespmem:s9], [sflag:$0x1] =	stream.linear.gather [hbm4b:s8+s3], $0x1400, $0x38;
	[tilespmem:$0x2A80] =	vst v63  }
0xe: {  	_ =	swait.ge [sflag:s6], $0x1400  }
0xf: {  	s10 =	sadd.s32 s14, s10;
	[sflag:s6] =	ssyncset.done $0x0  }
0x10: {  	s10 =	sadd.s32 $0x1C00, s10;
	[sflag:s6] =	ssyncadd.s32 $0xFFFFEC00  }
0x11: {  	[tilespmem:s3], [sflag:$0x1] =	stream.linear.gather [hbm4b:s10+s3], $0x1400, $0x38;
	[tilespmem:$0x2A80] =	vst v63  }
0x12: {  	_ =	swait.ge [sflag:s6], $0x1400  }
0x13: {  	s13 =	ssub.s32 $0x2, s13;
	[sflag:s6] =	ssyncset.done $0x0  }
0x14: {  	s12 =	sshll.u32 s12, $0x4;
	s31 =	sshrl.u32 s13, $0x1;
	[sflag:s6] =	ssyncadd.s32 $0xFFFFEC00  }
0x15: {  	s15 =	smul.u32 $0xA0, s1;
	s13 =	ssub.s32 s13, s31;
	[bflag:$0x0] =	sbarrier.arrive $0xFFFF  }
0x16: {  	[spmem:s2] =	stream.indirect.scatter.add.f32 [tilespmem:s9], [sflag:$0x1], $0x1, s3, s9, $0xb8;
	[tilespmem:$0x2A80] =	vst v63  }
0x17: {  	s12 =	sand.u32 $0x10, s12;
	s14 =	smax.u32 s13, $0x1;
	_ =	swait.ge [sflag:s6], $0x1400  }
0x18: {  	s11 =	sadd.s32 s12, s11;
	p0 =	sne.s32 s14, $0x1;
	[sflag:s6] =	ssyncset.done $0x0  }
.Ltmp0:
0x19: {  	s12 =	simm.s32 $0x20;
	[sflag:s6] =	ssyncadd.s32 $0xFFFFEC00;
	(pc) =	sbr.rel @!p0 .LBB2_2-.Ltmp0, $4  }
0x1a: {  	s11 =	sadd.s32 s15, s11;
	s13 =	simm.s32 $0x10;
	[bflag:$0x0] =	sbarrier.arrive $0xFFFF  }
0x1b: {  	[hbm:s11@s12], [sflag:s5] =	dma.strided [spmem:s7@s13], $0x50, s6, $0x10   }
0x1c: {  	_ =	swait.ge [sflag:s6], $0x50  }
0x1d: {  	s14 =	sadd.s32 $0xFFFFFFFF, s14;
	[sflag:s6] =	ssyncset.done $0x0  }
.LBB2_1:
0x1e: {  	p0 =	sne.s32 s14, $0x1;
	s14 =	sadd.s32 $0xFFFFFFFF, s14;
	[sflag:s6] =	ssyncadd.s32 $0xFFFFFFB0  }
0x1f: {  	[spmem:s7], [sflag:s5] =	dma.local [hbm:s4], $0x50  }
0x20: {  	_ =	swait.ge [sflag:s6], $0x50  }
0x21: {  	[sflag:s6] =	ssyncset.done $0x0  }
0x22: {  	[sflag:s6] =	ssyncadd.s32 $0xFFFFFFB0  }
0x23: {  	[tilespmem:s9], [sflag:$0x1] =	stream.linear.gather [hbm4b:s8+s3], $0x1400, $0x38;
	[tilespmem:$0x2A80] =	vst v63  }
0x24: {  	_ =	swait.ge [sflag:s6], $0x1400  }
0x25: {  	[sflag:s6] =	ssyncset.done $0x0  }
0x26: {  	[sflag:s6] =	ssyncadd.s32 $0xFFFFEC00  }
0x27: {  	[tilespmem:s3], [sflag:$0x1] =	stream.linear.gather [hbm4b:s10+s3], $0x1400, $0x38;
	[tilespmem:$0x2A80] =	vst v63  }
0x28: {  	_ =	swait.ge [sflag:s6], $0x1400  }
0x29: {  	[sflag:s6] =	ssyncset.done $0x0  }
0x2a: {  	[sflag:s6] =	ssyncadd.s32 $0xFFFFEC00  }
0x2b: {  	[bflag:$0x0] =	sbarrier.arrive $0xFFFF  }
0x2c: {  	[spmem:s2] =	stream.indirect.scatter.add.f32 [tilespmem:s9], [sflag:$0x1], $0x1, s3, s9, $0xb8;
	[tilespmem:$0x2A80] =	vst v63  }
0x2d: {  	_ =	swait.ge [sflag:s6], $0x1400  }
0x2e: {  	[sflag:s6] =	ssyncset.done $0x0  }
.Ltmp1:
0x2f: {  	[sflag:s6] =	ssyncadd.s32 $0xFFFFEC00;
	(pc) =	sbr.rel @p0 .LBB2_1-.Ltmp1, $4  }
0x30: {  	[bflag:$0x0] =	sbarrier.arrive $0xFFFF  }
0x31: {  	[hbm:s11@s12], [sflag:s5] =	dma.strided [spmem:s7@s13], $0x50, s6, $0x10   }
0x32: {  	_ =	swait.ge [sflag:s6], $0x50  }
0x33: {  	[sflag:s6] =	ssyncset.done $0x0  }
.LBB2_2:
0x34: {  	[sflag:s6] =	ssyncadd.s32 $0xFFFFFFB0  }
0x35: {  	_ =	sfence.sel $0x180000  }
0x36: {  	[bflag:$0x0] =	sbarrier.arrive $0xFFFF  }
0x37: {  	p0 =	sne.s32 s1, $0x0;
	_ =	strace $0x90000047  }
0x38: {  	s0 =	sadd.s32 @!p0 $0x100000, s0;
	[bflag:$0x2] =	sbarrier.arrive $0xFFFF  }
0x39: {  	[sflag:s0] =	ssyncadd.tile.s32 @!p0 $0x1;
	_ =	shalt  }
.Lfunc_end2:
_tile_overlayer_lowered:
.L_overlay_start_2:
0x3a: {  	(tag) =	ssettag $0x2  }
0x3b: {  	s0 =	rddreg [dreg:$0x0];
	s2 =	stileid.u32  }
0x3c: {  	s1 =	rddreg [dreg:$0x1];
	p0 =	sne.s32 s2, $0x0  }
0x3d: {  	s3 =	rddreg [dreg:$0x2];
	[bflag:$0x3] =	sbarrier.arrive $0xFFFF;
	s2 =	simm.s32 @!p0 $0x1C01  }
0x3e: {  	[timem:s3], [sflag:s2] =	dma.local @!p0 [hbm:s0], s1  }
0x3f: {  	s0 =	simm.s32 @!p0 $0x1  }
0x40: {  	_ =	swait.ge @!p0 [sflag:s0], s1  }
0x41: {  	s1 =	ssub.s32 @!p0 $0x0, s1;
	[sflag:s0] =	ssyncset.done @!p0 $0x0  }
0x42: {  	[sflag:s0] =	ssyncadd.s32 @!p0 s1  }
0x43: {  	[bflag:$0x3] =	sbarrier.arrive $0xFFFF  }
0x44: {  	_ =	shalt  }

// kernel: kernel.9.cloned.1.call-start
scs
__scs_entry_jumppad:
0x0: {  	(pc) =	sbr.rel $0x88, $3  }
0x1: {  	(tag) =	ssettag $0x0;
	lr =	simm.s32 $0x1  }
0x2: {  	[smem:$0x3F9C] =	sst lr;
	_ =	strace $0xD0000000  }
0x3: {  	_ = 	snop  }
0x4: {  	_ = 	snop  }
0x5: {  	_ = 	snop  }
0x6: {  	_ = 	snop  }
0x7: {  	_ = 	snop  }
__scs_overlays_trampoline_lowered:
0x8: {  	[smem:$0x3FAB] =	sst s0  }
0x9: {  	[smem:$0x3FAC] =	sst s1  }
0xa: {  	[smem:$0x3FAD] =	sst s2  }
0xb: {  	[smem:$0x3FAE] =	sst s3  }
0xc: {  	[smem:$0x3FAF] =	sst s4  }
0xd: {  	[smem:$0x3FB0] =	sst s5  }
0xe: {  	[smem:$0x3FB1] =	sst s6  }
0xf: {  	[smem:$0x3FB2] =	sst s7  }
0x10: {  	[smem:$0x3FB3] =	sst s8  }
0x11: {  	[smem:$0x3FB4] =	sst s9;
	s0 =	simm.s32 @!p0 $0x0  }
0x12: {  	s1 =	sld [smem:$0x3F9A];
	s0 =	simm.s32 @p0 $0x1  }
0x13: {  	[smem:$0x3FB5] =	sst s0;
	s0 =	simm.s32 @!p1 $0x0  }
0x14: {  	s2 =	sld [smem:$0x3F99];
	s0 =	simm.s32 @p1 $0x1  }
0x15: {  	[smem:$0x3FB6] =	sst s0;
	s0 =	simm.s32 @!p2 $0x0  }
0x16: {  	s3 =	sld [smem:$0x3FDB];
	s0 =	simm.s32 @p2 $0x1  }
0x17: {  	s4 =	simm.s32 $0x1BF5;
	[smem:$0x3FB8] =	sst s0  }
0x18: {  	s0 =	sld [smem:$0x3F9B];
	_ =	swait.ge [sflag:s4], $0x0  }
0x19: {  	s7 =	sld [smem:$0x3F9C]  }
0x1a: {  	s8 =	sadd.s32 $0xFFFFE003, lr  }
0x1b: {  	s9 =	sadd.s32 $0xFFFFFEF7, lr;
	s5 =	simm.s32 $0xFFFFFFFF;
	p2 =	slt.u32 s8, $0xFFFFF086  }
0x1c: {  	p1 =	slt.u32 s9, $0xF7A;
	s5 =	simm.s32 @!p2 $0x0  }
0x1d: {  	s5 =	simm.s32 @p1 $0x1;
	p0 =	seq.s32 s7, s2  }
0x1e: {  	s7 =	smul.u32 @!p0 $0xF7A, s2;
	p2 =	seq.s32 @!p0 s5, $0x0  }
0x1f: {  	s9 =	smul.u32 $0xF7A, s1;
	s8 =	simm.s32 @!p0 $0x1BF5;
	p2 =	por !p2, p0  }
0x20: {  	[sflag:s8] =	ssyncset.s32 @!p0 $0xFFFFF086;
	s6 =	sadd.s32 @!p0 s3, s7;
	s7 =	simm.s32 @!p0 $0x108  }
0x21: {  	s3 =	sadd.s32 s3, s9;
	s6 =	sadd.s32 @!p0 $0x88, s6;
	s7 =	simm.s32 @p2 $0x1082  }
0x22: {  	[simem:s7], [sflag:s8] =	dma.local @!p0 [hbm:s6], $0xF7A  }
0x23: {  	s9 =	sor.u32 $0xD0000000, s2;
	s6 =	simm.s32 $0x108;
	_ =	swait.ge @!p0 [sflag:s8], $0x0  }
0x24: {  	s3 =	sadd.s32 $0x88, s3;
	s6 =	simm.s32 @!p1 $0x1082;
	[sflag:s4] =	ssyncset.s32 $0xFFFFF086  }
0x25: {  	[simem:s6], [sflag:s4] =	dma.local [hbm:s3], $0xF7A  }
0x26: {  	[smem:$0x3F9C] =	sst s1;
	(tag) =	ssettag s2;
	_ =	strace s9  }
0x27: {  	s1 =	sld [smem:$0x3FAC]  }
0x28: {  	s2 =	sld [smem:$0x3FAD]  }
0x29: {  	s4 =	sld [smem:$0x3FAF]  }
0x2a: {  	p0 =	seq.s32 s5, $0x0;
	s5 =	sld [smem:$0x3FB0]  }
0x2b: {  	s6 =	sld [smem:$0x3FB1]  }
0x2c: {  	s7 =	sld [smem:$0x3FB2]  }
0x2d: {  	s3 =	simm.s32 $0x108;
	s8 =	sld [smem:$0x3FB3]  }
0x2e: {  	s3 =	simm.s32 @!p0 $0x1082;
	s9 =	sld [smem:$0x3FB4]  }
0x2f: {  	lr =	sadd.s32 s0, s3;
	s0 =	sld [smem:$0x3FAB]  }
0x30: {  	s3 =	sld [smem:$0x3FAE]  }
0x31: {  	[smem:$0x3FB7] =	sst s10  }
0x32: {  	s10 =	sld [smem:$0x3FB5];
	_ =	sdelay $0x3  }
0x33: {  	p0 =	seq.s32 s10, $0x1;
	s10 =	sld [smem:$0x3FB7];
	_ =	sdelay $0x3  }
0x34: {  	[smem:$0x3FB7] =	sst s10  }
0x35: {  	s10 =	sld [smem:$0x3FB6];
	_ =	sdelay $0x3  }
0x36: {  	p1 =	seq.s32 s10, $0x1;
	s10 =	sld [smem:$0x3FB7];
	_ =	sdelay $0x3  }
0x37: {  	[smem:$0x3FB7] =	sst s10  }
0x38: {  	s10 =	sld [smem:$0x3FB8]  }
0x39: {  	_ = 	snop;
	(pc) =	sbr.ind lr, $3  }
0x3a: {  	_ = 	snop  }
0x3b: {  	_ = 	snop  }
0x3c: {  	p2 =	seq.s32 s10, $0x1;
	s10 =	sld [smem:$0x3FB7]  }
0x3d: {  	_ =	shalt  }
0x3e: {  	_ =	shalt  }
0x3f: {  	_ =	shalt  }
0x40: {  	_ =	shalt  }
0x41: {  	_ =	shalt  }
0x42: {  	_ =	shalt  }
0x43: {  	_ =	shalt  }
0x44: {  	_ =	shalt  }
0x45: {  	_ =	shalt  }
0x46: {  	_ =	shalt  }
0x47: {  	_ =	shalt  }
0x48: {  	_ =	shalt  }
0x49: {  	_ =	shalt  }
0x4a: {  	_ =	shalt  }
0x4b: {  	_ =	shalt  }
0x4c: {  	_ =	shalt  }
0x4d: {  	_ =	shalt  }
0x4e: {  	_ =	shalt  }
0x4f: {  	_ =	shalt  }
0x50: {  	_ =	shalt  }
0x51: {  	_ =	shalt  }
0x52: {  	_ =	shalt  }
0x53: {  	_ =	shalt  }
0x54: {  	_ =	shalt  }
0x55: {  	_ =	shalt  }
0x56: {  	_ =	shalt  }
0x57: {  	_ =	shalt  }
0x58: {  	_ =	shalt  }
0x59: {  	_ =	shalt  }
0x5a: {  	_ =	shalt  }
0x5b: {  	_ =	shalt  }
0x5c: {  	_ =	shalt  }
0x5d: {  	_ =	shalt  }
0x5e: {  	_ =	shalt  }
0x5f: {  	_ =	shalt  }
0x60: {  	_ =	shalt  }
0x61: {  	_ =	shalt  }
0x62: {  	_ =	shalt  }
0x63: {  	_ =	shalt  }
0x64: {  	_ =	shalt  }
0x65: {  	_ =	shalt  }
0x66: {  	_ =	shalt  }
0x67: {  	_ =	shalt  }
0x68: {  	_ =	shalt  }
0x69: {  	_ =	shalt  }
0x6a: {  	_ =	shalt  }
0x6b: {  	_ =	shalt  }
0x6c: {  	_ =	shalt  }
0x6d: {  	_ =	shalt  }
0x6e: {  	_ =	shalt  }
0x6f: {  	_ =	shalt  }
0x70: {  	_ =	shalt  }
0x71: {  	_ =	shalt  }
0x72: {  	_ =	shalt  }
0x73: {  	_ =	shalt  }
0x74: {  	_ =	shalt  }
0x75: {  	_ =	shalt  }
0x76: {  	_ =	shalt  }
0x77: {  	_ =	shalt  }
0x78: {  	_ =	shalt  }
0x79: {  	_ =	shalt  }
0x7a: {  	_ =	shalt  }
0x7b: {  	_ =	shalt  }
0x7c: {  	_ =	shalt  }
0x7d: {  	_ =	shalt  }
0x7e: {  	_ =	shalt  }
0x7f: {  	_ =	shalt  }
0x80: {  	_ =	shalt  }
0x81: {  	_ =	shalt  }
0x82: {  	_ =	shalt  }
0x83: {  	_ =	shalt  }
0x84: {  	_ =	shalt  }
0x85: {  	_ =	shalt  }
0x86: {  	_ =	shalt  }
0x87: {  	_ =	shalt  }
.Lfunc_end0:
.L_simem_size_0:
called_computation.1_lowered:
.L_overlay_start_0:
0x88: {  	s2 =	sld [smem:$0x3FD9]  }
0x89: {  	s3 =	sld [smem:$0x3FFE];
	_ =	sdelay $0x1  }
0x8a: {  	s1 =	srdreg.scid  }
0x8b: {  	s0 =	sand.u32 $0x1, s1  }
0x8c: {  	s16 =	sshll.u32 s0, $0xA;
	s2 =	sadd.s32 s3, s2  }
0x8d: {  	s2 =	sadd.s32 s2, s16  }
0x8e: {  	[smem:$0x3FC3] =	sst s2  }
0x8f: {  	_ = 	snop  }
0x90: {  	(tm) =	ssettm $0x1  }
0x91: {  	s17 =	sld [smem:$0x3FFB];
	_ =	sdelay $0x3  }
0x92: {  	_ =	strace s17  }
0x93: {  	s2 =	sld [smem:$0x3FFC];
	_ =	sdelay $0x3  }
0x94: {  	_ =	strace s2  }
0x95: {  	s2 =	sld [smem:$0x3FFD];
	_ =	sdelay $0x3  }
0x96: {  	_ =	strace s2  }
0x97: {  	_ =	strace $0x8FFFFFFF  }
0x98: {  	s18 =	sld [smem:$0x3FDB];
	_ =	sdelay $0x1  }
0x99: {  	s19 =	simm.s32 $_scs_section_size  }
0x9a: {  	s4 =	simm.s32 $_size__tile_overlayer_lowered;
	s5 =	simm.s32 $_tile_overlayer_lowered  }
0x9b: {  	s22 =	simm.s32 $0x1BFF;
	s21 =	sshll.u32 s5, $0x1;
	s2 =	sadd.s32 s19, s18  }
0x9c: {  	s6 =	simm.s32 $0x0;
	s20 =	sshll.u32 s4, $0x1;
	s4 =	sadd.s32 s21, s2  }
0x9d: {  	[timem:s6], [sflag:s22] =	dma.local [hbm:s4], s20  }
0x9e: {  	_ =	swait.ge [sflag:s22], s20  }
0x9f: {  	s3 =	ssub.s32 $0x0, s20;
	[sflag:s22] =	ssyncset.done $0x0  }
0xa0: {  	[sflag:s22] =	ssyncadd.s32 s3;
	_ =	sdelay $0x1  }
0xa1: {  	s23 =	simm.s32 $0x1B8B  }
0xa2: {  	_ =	swait.ge [sflag:s23], $0x1  }
0xa3: {  	[sflag:s23] =	ssyncset.done $0x0  }
0xa4: {  	s25 =	simm.s32 $0x1B8E;
	s24 =	sld [smem:$0x3FFE];
	[sflag:s23] =	ssyncadd.s32 $0xFFFFFFFF  }
0xa5: {  	s26 =	simm.s32 $execute0_lowered;
	[smem:$0x3FD2] =	sst s25  }
0xa6: {  	s4 =	sshll.u32 s26, $0x1;
	_ =	strace $0x80000049;
	[dreg:$0x1] =	wrdreg $0xFFFFFFFF  }
0xa7: {  	s28 =	simm.s32 $_size_execute0_lowered;
	s2 =	sadd.s32 s2, s4;
	[dreg:$0x0] =	wrdreg $0x0  }
0xa8: {  	s4 =	sshll.u32 s28, $0x1;
	[dreg:$0x2] =	wrdreg s2  }
0xa9: {  	[dreg:$0x3] =	wrdreg s4  }
0xaa: {  	[dreg:$0x4] =	wrdreg $0xC0  }
0xab: {  	_ =	task [dreg:s6], $0x5FFFF  }
0xac: {  	[dreg:$0x1] =	wrdreg $0xFFFFFFFF  }
0xad: {  	[dreg:$0x0] =	wrdreg $0x60  }
0xae: {  	[dreg:$0x2] =	wrdreg s24  }
0xaf: {  	[dreg:$0x3] =	wrdreg $0xA9000  }
0xb0: {  	[dreg:$0x4] =	wrdreg $0x9  }
0xb1: {  	_ =	task.clear_ibuf [dreg:s6], $0x5FFFF;
	_ =	strace $0x90000049  }
0xb2: {  	s29 =	simm.s32 $0x9;
	_ =	strace $0x8000004B  }
0xb3: {  	_ =	swait.ge [sflag:s29], $0x1  }
0xb4: {  	[sflag:s29] =	ssyncadd.s32 $0xFFFFFFFF  }
0xb5: {  	_ =	strace $0x9000004B  }
0xb6: {  	_ =	sfence  }
0xb7: {  	s30 =	sld [smem:$0x0];
	_ =	sdelay $0x2  }
0xb8: {  	s31 =	sshll.u32 s1, $0xD;
	s1 =	sshrl.u32 s1, $0x2  }
0xb9: {  	s3 =	sand.u32 $0x4000, s31;
	s1 =	sadd.s32 s1, s30  }
0xba: {  	s0 =	sor.u32 s3, s0;
	s1 =	sshll.u32 s1, $0x11  }
0xbb: {  	s0 =	sor.u32 s1, s0  }
0xbc: {  	s0 =	sadd.s32 $0x8F2B, s0  }
0xbd: {  	[sflag:s0] =	ssyncadd.remote.s32 $0x1  }
0xbe: {  	_ =	sfence.sel $0xFFFF  }
0xbf: {  	[dreg:$0x0] =	wrdreg $0xFFFFFFFF;
	(pc) =	sbr.abs _section_cstart, $3  }
0xc0: {  	[dreg:$0x1] =	wrdreg $0xFFFFFFFF  }
0xc1: {  	_ =	task.clear_ibuf [dreg:s6], $0x2FFFF;
	_ =	strace $0x9FFFFFFF  }
0xc2: {  	(tm) =	ssettm $0x7FFFFFFF  }
0xc3: {  	_ =	shalt  }
tec
execute0_lowered:
.L_overlay_start_1:
0x0: {  	(tag) =	ssettag $0x1  }
0x1: {  	s10 =	rddreg [dreg:$0x0]  }
0x2: {  	s1 =	rddreg [dreg:$0x1]  }
0x3: {  	s0 =	rddreg [dreg:$0x2]  }
0x4: {  	s2 =	simm.s32 $0x0;
	s4 =	srdreg.scid;
	s17 =	simm.s32 $0x80  }
0x5: {  	s18 =	simm.s32 $0x2900;
	s19 =	simm.s32 $0x6900;
	s20 =	simm.s32 $0x1  }
0x6: {  	s21 =	simm.s32 $0x2800;
	s22 =	simm.s32 $0x2;
	s23 =	simm.s32 $0x2880  }
0x7: {  	s24 =	simm.s32 $0x1380;
	[smem:$0x7FF] =	sst s2;
	s3 =	sadd.s32 $0x6C00, s10  }
0x8: {  	s5 =	sadd.s32 $0x1C00, s10;
	s6 =	sadd.s32 $0xBC00, s10;
	s14 =	sand.u32 $0x1, s4  }
0x9: {  	s7 =	sadd.s32 $0x32E00, s10;
	s4 =	stileid.u32;
	s8 =	sadd.s32 $0x5A000, s10  }
0xa: {  	s9 =	sadd.s32 $0x5C800, s10;
	s10 =	sadd.s32 $0x84800, s10;
	s13 =	smul.u32 $0x50000, s4  }
.Ltmp0:
0xb: {  	_ =	strace $0x8000004A;
	s11 =	ssub.s32 $0x2, s14;
	(pc) =	sbr.rel .LBB2_1-.Ltmp0, $4  }
0xc: {  	s31 =	sshll.u32 s4, $0x6;
	p0 =	sne.s32 s14, $0x0;
	s12 =	sshrl.u32 s11, $0x1  }
0xd: {  	s15 =	ssub.s32 s11, s12;
	s11 =	smul.u32 $0x2800, s4;
	s30 =	sshrl.u32 s13, $0x2  }
0xe: {  	s12 =	sor.u32 $0x1C03, s31;
	s16 =	sadd.s32 s30, s1;
	s13 =	smax.u32 s15, $0x1  }
0xf: {  	s15 =	simm.s32 $0x3;
	s14 =	sshrl.u32 s16, $0x3;
	s16 =	simm.s32 $0x1400  }
.LBB2_10:
0x10: {  	s2 =	sadd.s32 $0x1, s2  }
0x11: {  	p1 =	sne.s32 s2, s13  }
.Ltmp1:
0x12: {  	s25 =	sadd.s32 s25, s11;
	[bflag:$0x0] =	sbarrier.arrive $0xFFFF;
	(pc) =	sbr.rel @!p1 .LBB2_11-.Ltmp1, $4  }
0x13: {  	[hbm:s25], [sflag:s12] =	dma.local [spmem:s14], $0x2800  }
0x14: {  	_ =	swait.ge [sflag:s15], $0x2800  }
0x15: {  	[sflag:s15] =	ssyncset.done $0x0  }
0x16: {  	[sflag:s15] =	ssyncadd.s32 $0xFFFFD800  }
.LBB2_1:
0x17: {  	[spmem:s14], [sflag:s12] =	dma.local [hbm:s8], $0x2800  }
.Ltmp2:
0x18: {  	_ =	swait.ge [sflag:s15], $0x2800;
	(pc) =	sbr.rel @p0 .LBB2_6-.Ltmp2, $4  }
0x19: {  	[sflag:s15] =	ssyncset.done $0x0  }
0x1a: {  	[sflag:s15] =	ssyncadd.s32 $0xFFFFD800  }
0x1b: {  	[bflag:$0x0] =	sbarrier.arrive $0xFFFF  }
0x1c: {  	p2 =	por $0x1, $0x1;
	s25 =	simm.s32 $0x0;
	s26 =	simm.s32 $0x0  }
.LBB2_2:
0x1d: {  	s25 =	sadd.s32 s11, s25  }
0x1e: {  	s25 =	sshrl.u32 s25, $0x3  }
0x1f: {  	s28 =	simm.s32 $0x0;
	s26 =	sadd.s32 s3, s25  }
0x20: {  	[tilespmem:s28], [sflag:$0x3] =	stream.linear.gather [hbm4b:s26+s28], $0x1400, $0x38;
	[tilespmem:$0x1E900] =	vst v63  }
0x21: {  	_ =	swait.ge [sflag:s15], $0x1400  }
0x22: {  	[sflag:s15] =	ssyncset.done $0x0  }
0x23: {  	s25 =	sadd.s32 s5, s25;
	[sflag:s15] =	ssyncadd.s32 $0xFFFFEC00  }
0x24: {  	[tilespmem:s16], [sflag:$0x3] =	stream.linear.gather [hbm4b:s25+s28], $0x1400, $0x38;
	[tilespmem:$0x1E900] =	vst v63  }
0x25: {  	_ =	swait.ge [sflag:s15], $0x1400  }
0x26: {  	[sflag:s15] =	ssyncset.done $0x0  }
0x27: {  	[sflag:s15] =	ssyncadd.s32 $0xFFFFEC00  }
0x28: {  	[tilespmem:s18], [sflag:$0x1] =	stream.indirect.gather [hbm4b:s6+s17], $0x80, s28, s17, $0xb8;
	[tilespmem:$0x1E900] =	vst v63  }
0x29: {  	s30 =	simm.s32 $0x80;
	s28 =	simm.s32 $0x0  }
0x2a: {  	[tilespmem:s19], [sflag:$0x2] =	stream.indirect.gather [hbm4b:s6+s17], $0x80, s30, s17, $0xb8;
	[tilespmem:$0x1E900] =	vst v63  }
0x2b: {  	v0 =	vld [tilespmem:s28+$0x1400];
	_ =	sdelay $0x4  }
0x2c: {  	[tilespmem:$0x2800] =	vst v0  }
0x2d: {  	v0 =	vld [tilespmem:s28+$0x1410];
	_ =	sdelay $0x4  }
0x2e: {  	[tilespmem:$0x2810] =	vst v0  }
0x2f: {  	v0 =	vld [tilespmem:s28+$0x1420];
	_ =	sdelay $0x4  }
0x30: {  	[tilespmem:$0x2820] =	vst v0  }
0x31: {  	v0 =	vld [tilespmem:s28+$0x1430];
	_ =	sdelay $0x4  }
0x32: {  	[tilespmem:$0x2830] =	vst v0  }
0x33: {  	v0 =	vld [tilespmem:s28+$0x1440];
	_ =	sdelay $0x4  }
0x34: {  	[tilespmem:$0x2840] =	vst v0  }
0x35: {  	v0 =	vld [tilespmem:s28+$0x1450];
	_ =	sdelay $0x4  }
0x36: {  	[tilespmem:$0x2850] =	vst v0  }
0x37: {  	v0 =	vld [tilespmem:s28+$0x1460];
	_ =	sdelay $0x4  }
0x38: {  	[tilespmem:$0x2860] =	vst v0  }
0x39: {  	v0 =	vld [tilespmem:s28+$0x1470];
	_ =	sdelay $0x4  }
0x3a: {  	[tilespmem:$0x2870] =	vst v0  }
0x3b: {  	_ =	swait.ge [sflag:s20], $0x4000  }
0x3c: {  	[sflag:s20] =	ssyncset.done $0x0  }
0x3d: {  	[sflag:s20] =	ssyncadd.s32 $0xFFFFC000  }
0x3e: {  	[spmem:s1] =	stream.indirect.scatter.add.f32 [tilespmem:s18], [sflag:$0x3], $0x80, s21, s17, $0xb8;
	[tilespmem:$0x1E900] =	vst v63  }
0x3f: {  	_ =	swait.ge [sflag:s15], $0x4000  }
0x40: {  	[sflag:s15] =	ssyncset.done $0x0  }
0x41: {  	s31 =	simm.s32 $0x100;
	[sflag:s15] =	ssyncadd.s32 $0xFFFFC000  }
0x42: {  	[tilespmem:s18], [sflag:$0x1] =	stream.indirect.gather [hbm4b:s6+s17], $0x80, s31, s17, $0xb8;
	[tilespmem:$0x1E900] =	vst v63  }
0x43: {  	v63 =	vld [tilespmem:s28+$0x1480];
	_ =	sdelay $0x4  }
0x44: {  	[tilespmem:$0x2880] =	vst v63  }
0x45: {  	v0 =	vld [tilespmem:s28+$0x1490];
	_ =	sdelay $0x4  }
0x46: {  	[tilespmem:$0x2890] =	vst v0  }
0x47: {  	v0 =	vld [tilespmem:s28+$0x14A0];
	_ =	sdelay $0x4  }
0x48: {  	[tilespmem:$0x28A0] =	vst v0  }
0x49: {  	v0 =	vld [tilespmem:s28+$0x14B0];
	_ =	sdelay $0x4  }
0x4a: {  	[tilespmem:$0x28B0] =	vst v0  }
0x4b: {  	v0 =	vld [tilespmem:s28+$0x14C0];
	_ =	sdelay $0x4  }
0x4c: {  	[tilespmem:$0x28C0] =	vst v0  }
0x4d: {  	v0 =	vld [tilespmem:s28+$0x14D0];
	_ =	sdelay $0x4  }
0x4e: {  	[tilespmem:$0x28D0] =	vst v0  }
0x4f: {  	v0 =	vld [tilespmem:s28+$0x14E0];
	_ =	sdelay $0x4  }
0x50: {  	[tilespmem:$0x28E0] =	vst v0  }
0x51: {  	v0 =	vld [tilespmem:s28+$0x14F0];
	_ =	sdelay $0x4  }
0x52: {  	[tilespmem:$0x28F0] =	vst v0  }
0x53: {  	_ =	swait.ge [sflag:s22], $0x4000  }
0x54: {  	[sflag:s22] =	ssyncset.done $0x0  }
0x55: {  	[sflag:s22] =	ssyncadd.s32 $0xFFFFC000  }
0x56: {  	[spmem:s1] =	stream.indirect.scatter.add.f32 [tilespmem:s19], [sflag:$0x3], $0x80, s23, s17, $0xb8;
	[tilespmem:$0x1E900] =	vst v63  }
0x57: {  	p1 =	por p2, p2;
	_ =	swait.ge [sflag:s15], $0x4000  }
0x58: {  	s29 =	simm.s32 $0x800;
	s25 =	simm.s32 $0x100;
	[sflag:s15] =	ssyncset.done $0x0  }
.LBB2_3:
0x59: {  	s30 =	sadd.s32 $0x80, s25  }
0x5a: {  	[sflag:s15] =	ssyncadd.s32 $0xFFFFC000;
	s28 =	smov.u32 s29;
	s26 =	sadd.s32 $0x400, s29  }
0x5b: {  	[tilespmem:s19], [sflag:$0x2] =	stream.indirect.gather [hbm4b:s6+s17], $0x80, s30, s17, $0xb8;
	[tilespmem:$0x1E900] =	vst v63  }
0x5c: {  	p2 =	sne.s32 s29, $0x4800;
	v0 =	vld [tilespmem:s25+$0x1400];
	_ =	sdelay $0x4  }
0x5d: {  	[tilespmem:$0x2800] =	vst v0  }
0x5e: {  	v0 =	vld [tilespmem:s25+$0x1410];
	_ =	sdelay $0x4  }
0x5f: {  	[tilespmem:$0x2810] =	vst v0  }
0x60: {  	v0 =	vld [tilespmem:s25+$0x1420];
	_ =	sdelay $0x4  }
0x61: {  	[tilespmem:$0x2820] =	vst v0  }
0x62: {  	v0 =	vld [tilespmem:s25+$0x1430];
	_ =	sdelay $0x4  }
0x63: {  	[tilespmem:$0x2830] =	vst v0  }
0x64: {  	v0 =	vld [tilespmem:s25+$0x1440];
	_ =	sdelay $0x4  }
0x65: {  	[tilespmem:$0x2840] =	vst v0  }
0x66: {  	v0 =	vld [tilespmem:s25+$0x1450];
	_ =	sdelay $0x4  }
0x67: {  	[tilespmem:$0x2850] =	vst v0  }
0x68: {  	v0 =	vld [tilespmem:s25+$0x1460];
	_ =	sdelay $0x4  }
0x69: {  	[tilespmem:$0x2860] =	vst v0  }
0x6a: {  	v0 =	vld [tilespmem:s25+$0x1470];
	_ =	sdelay $0x4  }
0x6b: {  	[tilespmem:$0x2870] =	vst v0  }
0x6c: {  	_ =	swait.ge [sflag:s20], $0x4000  }
0x6d: {  	[sflag:s20] =	ssyncset.done $0x0  }
0x6e: {  	[sflag:s20] =	ssyncadd.s32 $0xFFFFC000  }
0x6f: {  	[spmem:s1] =	stream.indirect.scatter.add.f32 [tilespmem:s18], [sflag:$0x3], $0x80, s21, s17, $0xb8;
	[tilespmem:$0x1E900] =	vst v63  }
0x70: {  	_ =	swait.ge [sflag:s15], $0x4000  }
0x71: {  	[sflag:s15] =	ssyncset.done $0x0  }
0x72: {  	s29 =	sadd.s32 $0x100, s25;
	[sflag:s15] =	ssyncadd.s32 $0xFFFFC000  }
0x73: {  	[tilespmem:s18], [sflag:$0x1] =	stream.indirect.gather [hbm4b:s6+s17], $0x80, s29, s17, $0xb8;
	[tilespmem:$0x1E900] =	vst v63  }
0x74: {  	v0 =	vld [tilespmem:s25+$0x1480];
	_ =	sdelay $0x4  }
0x75: {  	[tilespmem:$0x2880] =	vst v0  }
0x76: {  	v0 =	vld [tilespmem:s25+$0x1490];
	_ =	sdelay $0x4  }
0x77: {  	[tilespmem:$0x2890] =	vst v0  }
0x78: {  	v0 =	vld [tilespmem:s25+$0x14A0];
	_ =	sdelay $0x4  }
0x79: {  	[tilespmem:$0x28A0] =	vst v0  }
0x7a: {  	v0 =	vld [tilespmem:s25+$0x14B0];
	_ =	sdelay $0x4  }
0x7b: {  	[tilespmem:$0x28B0] =	vst v0  }
0x7c: {  	v0 =	vld [tilespmem:s25+$0x14C0];
	_ =	sdelay $0x4  }
0x7d: {  	[tilespmem:$0x28C0] =	vst v0  }
0x7e: {  	v0 =	vld [tilespmem:s25+$0x14D0];
	_ =	sdelay $0x4  }
0x7f: {  	[tilespmem:$0x28D0] =	vst v0  }
0x80: {  	v0 =	vld [tilespmem:s25+$0x14E0];
	_ =	sdelay $0x4  }
0x81: {  	[tilespmem:$0x28E0] =	vst v0  }
0x82: {  	v0 =	vld [tilespmem:s25+$0x14F0];
	_ =	sdelay $0x4  }
0x83: {  	[tilespmem:$0x28F0] =	vst v0  }
0x84: {  	_ =	swait.ge [sflag:s22], $0x4000  }
.Ltmp3:
0x85: {  	[sflag:s22] =	ssyncset.done $0x0;
	(pc) =	sbr.rel @p2 .LBB2_3-.Ltmp3, $4  }
0x86: {  	[sflag:s22] =	ssyncadd.s32 $0xFFFFC000  }
0x87: {  	[spmem:s1] =	stream.indirect.scatter.add.f32 [tilespmem:s19], [sflag:$0x3], $0x80, s23, s17, $0xb8;
	[tilespmem:$0x1E900] =	vst v63  }
0x88: {  	_ =	swait.ge [sflag:s15], $0x4000  }
0x89: {  	s29 =	smov.u32 s26;
	s25 =	sshra.s32 s28, $0x2;
	[sflag:s15] =	ssyncset.done $0x0  }
0x8a: {  	s26 =	sadd.s32 $0x80, s25;
	[sflag:s15] =	ssyncadd.s32 $0xFFFFC000  }
0x8b: {  	[tilespmem:s19], [sflag:$0x2] =	stream.indirect.gather [hbm4b:s6+s17], $0x80, s26, s17, $0xb8;
	[tilespmem:$0x1E900] =	vst v63  }
0x8c: {  	v0 =	vld [tilespmem:s25+$0x1400];
	_ =	sdelay $0x4  }
0x8d: {  	[tilespmem:$0x2800] =	vst v0  }
0x8e: {  	v0 =	vld [tilespmem:s25+$0x1410];
	_ =	sdelay $0x4  }
0x8f: {  	[tilespmem:$0x2810] =	vst v0  }
0x90: {  	v0 =	vld [tilespmem:s25+$0x1420];
	_ =	sdelay $0x4  }
0x91: {  	[tilespmem:$0x2820] =	vst v0  }
0x92: {  	v0 =	vld [tilespmem:s25+$0x1430];
	_ =	sdelay $0x4  }
0x93: {  	[tilespmem:$0x2830] =	vst v0  }
0x94: {  	v0 =	vld [tilespmem:s25+$0x1440];
	_ =	sdelay $0x4  }
0x95: {  	[tilespmem:$0x2840] =	vst v0  }
0x96: {  	v0 =	vld [tilespmem:s25+$0x1450];
	_ =	sdelay $0x4  }
0x97: {  	[tilespmem:$0x2850] =	vst v0  }
0x98: {  	v0 =	vld [tilespmem:s25+$0x1460];
	_ =	sdelay $0x4  }
0x99: {  	[tilespmem:$0x2860] =	vst v0  }
0x9a: {  	v0 =	vld [tilespmem:s25+$0x1470];
	_ =	sdelay $0x4  }
0x9b: {  	[tilespmem:$0x2870] =	vst v0  }
0x9c: {  	_ =	swait.ge [sflag:s20], $0x4000  }
0x9d: {  	[sflag:s20] =	ssyncset.done $0x0  }
0x9e: {  	[sflag:s20] =	ssyncadd.s32 $0xFFFFC000  }
0x9f: {  	[spmem:s1] =	stream.indirect.scatter.add.f32 [tilespmem:s18], [sflag:$0x3], $0x80, s21, s17, $0xb8;
	[tilespmem:$0x1E900] =	vst v63  }
0xa0: {  	_ =	swait.ge [sflag:s15], $0x4000  }
0xa1: {  	[sflag:s15] =	ssyncset.done $0x0  }
0xa2: {  	s31 =	sadd.s32 $0x100, s25;
	[sflag:s15] =	ssyncadd.s32 $0xFFFFC000  }
0xa3: {  	[tilespmem:s18], [sflag:$0x1] =	stream.indirect.gather [hbm4b:s6+s17], $0x80, s31, s17, $0xb8;
	[tilespmem:$0x1E900] =	vst v63  }
0xa4: {  	v51 =	vld [tilespmem:s25+$0x1480];
	_ =	sdelay $0x4  }
0xa5: {  	[tilespmem:$0x2880] =	vst v51  }
0xa6: {  	v0 =	vld [tilespmem:s25+$0x1490];
	_ =	sdelay $0x4  }
0xa7: {  	[tilespmem:$0x2890] =	vst v0  }
0xa8: {  	v0 =	vld [tilespmem:s25+$0x14A0];
	_ =	sdelay $0x4  }
0xa9: {  	[tilespmem:$0x28A0] =	vst v0  }
0xaa: {  	v0 =	vld [tilespmem:s25+$0x14B0];
	_ =	sdelay $0x4  }
0xab: {  	[tilespmem:$0x28B0] =	vst v0  }
0xac: {  	v0 =	vld [tilespmem:s25+$0x14C0];
	_ =	sdelay $0x4  }
0xad: {  	[tilespmem:$0x28C0] =	vst v0  }
0xae: {  	v0 =	vld [tilespmem:s25+$0x14D0];
	_ =	sdelay $0x4  }
0xaf: {  	[tilespmem:$0x28D0] =	vst v0  }
0xb0: {  	v0 =	vld [tilespmem:s25+$0x14E0];
	_ =	sdelay $0x4  }
0xb1: {  	[tilespmem:$0x28E0] =	vst v0  }
0xb2: {  	v0 =	vld [tilespmem:s25+$0x14F0];
	_ =	sdelay $0x4  }
0xb3: {  	[tilespmem:$0x28F0] =	vst v0  }
0xb4: {  	_ =	swait.ge [sflag:s22], $0x4000  }
0xb5: {  	[sflag:s22] =	ssyncset.done $0x0  }
0xb6: {  	[sflag:s22] =	ssyncadd.s32 $0xFFFFC000  }
0xb7: {  	[spmem:s1] =	stream.indirect.scatter.add.f32 [tilespmem:s19], [sflag:$0x3], $0x80, s23, s17, $0xb8;
	[tilespmem:$0x1E900] =	vst v63  }
0xb8: {  	_ =	swait.ge [sflag:s15], $0x4000  }
0xb9: {  	[sflag:s15] =	ssyncset.done $0x0  }
0xba: {  	[sflag:s15] =	ssyncadd.s32 $0xFFFFC000  }
0xbb: {  	[tilespmem:s19], [sflag:$0x2] =	stream.indirect.gather [hbm4b:s6+s17], $0x80, s24, s17, $0xb8;
	[tilespmem:$0x1E900] =	vst v63  }
0xbc: {  	v52 =	vld [tilespmem:$0x2700]  }
0xbd: {  	v1 =	vld [tilespmem:$0x2710]  }
0xbe: {  	v2 =	vld [tilespmem:$0x2720]  }
0xbf: {  	v3 =	vld [tilespmem:$0x2730]  }
0xc0: {  	v4 =	vld [tilespmem:$0x2740]  }
0xc1: {  	v53 =	vld [tilespmem:$0x2750];
	[tilespmem:$0x2800] =	vst v52  }
0xc2: {  	v54 =	vld [tilespmem:$0x2760];
	[tilespmem:$0x2810] =	vst v1  }
0xc3: {  	v55 =	vld [tilespmem:$0x2770];
	[tilespmem:$0x2820] =	vst v2  }
0xc4: {  	[tilespmem:$0x2830] =	vst v3  }
0xc5: {  	[tilespmem:$0x2840] =	vst v4  }
0xc6: {  	[tilespmem:$0x2850] =	vst v53  }
0xc7: {  	[tilespmem:$0x2860] =	vst v54  }
0xc8: {  	[tilespmem:$0x2870] =	vst v55  }
0xc9: {  	_ =	swait.ge [sflag:s20], $0x4000  }
0xca: {  	[sflag:s20] =	ssyncset.done $0x0  }
0xcb: {  	[sflag:s20] =	ssyncadd.s32 $0xFFFFC000  }
0xcc: {  	[spmem:s1] =	stream.indirect.scatter.add.f32 [tilespmem:s18], [sflag:$0x3], $0x80, s21, s17, $0xb8;
	[tilespmem:$0x1E900] =	vst v63  }
0xcd: {  	_ =	swait.ge [sflag:s15], $0x4000  }
0xce: {  	[sflag:s15] =	ssyncset.done $0x0  }
0xcf: {  	[sflag:s15] =	ssyncadd.s32 $0xFFFFC000  }
0xd0: {  	v56 =	vld [tilespmem:$0x2780]  }
0xd1: {  	v57 =	vld [tilespmem:$0x2790]  }
0xd2: {  	v58 =	vld [tilespmem:$0x27A0]  }
0xd3: {  	v59 =	vld [tilespmem:$0x27B0]  }
0xd4: {  	v60 =	vld [tilespmem:$0x27C0]  }
0xd5: {  	v61 =	vld [tilespmem:$0x27D0];
	[tilespmem:$0x2880] =	vst v56  }
0xd6: {  	v62 =	vld [tilespmem:$0x27E0];
	[tilespmem:$0x2890] =	vst v57  }
0xd7: {  	v63 =	vld [tilespmem:$0x27F0];
	[tilespmem:$0x28A0] =	vst v58  }
0xd8: {  	[tilespmem:$0x28B0] =	vst v59  }
0xd9: {  	[tilespmem:$0x28C0] =	vst v60  }
0xda: {  	[tilespmem:$0x28D0] =	vst v61  }
0xdb: {  	[tilespmem:$0x28E0] =	vst v62  }
0xdc: {  	[tilespmem:$0x28F0] =	vst v63  }
0xdd: {  	_ =	swait.ge [sflag:s22], $0x4000  }
0xde: {  	[sflag:s22] =	ssyncset.done $0x0  }
.Ltmp4:
0xdf: {  	[sflag:s22] =	ssyncadd.s32 $0xFFFFC000;
	(pc) =	sbr.rel @p1 .LBB2_2-.Ltmp4, $4  }
0xe0: {  	[spmem:s1] =	stream.indirect.scatter.add.f32 [tilespmem:s19], [sflag:$0x3], $0x80, s23, s17, $0xb8;
	[tilespmem:$0x1E900] =	vst v63  }
0xe1: {  	_ =	swait.ge [sflag:s15], $0x4000  }
0xe2: {  	[sflag:s15] =	ssyncset.done $0x0  }
0xe3: {  	p2 =	por $0x0, $0x0;
	s25 =	simm.s32 $0x1400;
	[sflag:s15] =	ssyncadd.s32 $0xFFFFC000  }
.Ltmp5:
0xe4: {  	(pc) =	sbr.rel .LBB2_10-.Ltmp5, $2  }
0xe5: {  	_ =	sdelay $0x2  }
0xe6: {  	s25 =	smov.u32 s9  }
.LBB2_6:
0xe7: {  	s25 =	sadd.s32 s11, s26  }
0xe8: {  	s25 =	sshrl.u32 s25, $0x3  }
0xe9: {  	s28 =	simm.s32 $0x0;
	s31 =	sadd.s32 s3, s25  }
0xea: {  	[tilespmem:s28], [sflag:$0x3] =	stream.linear.gather [hbm4b:s31+s28], $0x1400, $0x38;
	[tilespmem:$0x1E900] =	vst v63  }
0xeb: {  	_ =	swait.ge [sflag:s15], $0x1400  }
0xec: {  	[sflag:s15] =	ssyncset.done $0x0  }
0xed: {  	s25 =	sadd.s32 s5, s25;
	[sflag:s15] =	ssyncadd.s32 $0xFFFFEC00  }
0xee: {  	[tilespmem:s16], [sflag:$0x3] =	stream.linear.gather [hbm4b:s25+s28], $0x1400, $0x38;
	[tilespmem:$0x1E900] =	vst v63  }
0xef: {  	_ =	swait.ge [sflag:s15], $0x1400  }
0xf0: {  	[sflag:s15] =	ssyncset.done $0x0  }
0xf1: {  	[sflag:s15] =	ssyncadd.s32 $0xFFFFEC00  }
0xf2: {  	[tilespmem:s18], [sflag:$0x1] =	stream.indirect.gather [hbm4b:s7+s17], $0x80, s28, s17, $0xb8;
	[tilespmem:$0x1E900] =	vst v63  }
0xf3: {  	s30 =	simm.s32 $0x80;
	s28 =	simm.s32 $0x0  }
0xf4: {  	[tilespmem:s19], [sflag:$0x2] =	stream.indirect.gather [hbm4b:s7+s17], $0x80, s30, s17, $0xb8;
	[tilespmem:$0x1E900] =	vst v63  }
0xf5: {  	v0 =	vld [tilespmem:s28+$0x1400];
	_ =	sdelay $0x4  }
0xf6: {  	[tilespmem:$0x2800] =	vst v0  }
0xf7: {  	v0 =	vld [tilespmem:s28+$0x1410];
	_ =	sdelay $0x4  }
0xf8: {  	[tilespmem:$0x2810] =	vst v0  }
0xf9: {  	v0 =	vld [tilespmem:s28+$0x1420];
	_ =	sdelay $0x4  }
0xfa: {  	[tilespmem:$0x2820] =	vst v0  }
0xfb: {  	v0 =	vld [tilespmem:s28+$0x1430];
	_ =	sdelay $0x4  }
0xfc: {  	[tilespmem:$0x2830] =	vst v0  }
0xfd: {  	v0 =	vld [tilespmem:s28+$0x1440];
	_ =	sdelay $0x4  }
0xfe: {  	[tilespmem:$0x2840] =	vst v0  }
0xff: {  	v0 =	vld [tilespmem:s28+$0x1450];
	_ =	sdelay $0x4  }
0x100: {  	[tilespmem:$0x2850] =	vst v0  }
0x101: {  	v0 =	vld [tilespmem:s28+$0x1460];
	_ =	sdelay $0x4  }
0x102: {  	[tilespmem:$0x2860] =	vst v0  }
0x103: {  	v0 =	vld [tilespmem:s28+$0x1470];
	_ =	sdelay $0x4  }
0x104: {  	[tilespmem:$0x2870] =	vst v0  }
0x105: {  	_ =	swait.ge [sflag:s20], $0x4000  }
0x106: {  	[sflag:s20] =	ssyncset.done $0x0  }
0x107: {  	[sflag:s20] =	ssyncadd.s32 $0xFFFFC000  }
0x108: {  	[spmem:s1] =	stream.indirect.scatter.add.f32 [tilespmem:s18], [sflag:$0x3], $0x80, s21, s17, $0xb8;
	[tilespmem:$0x1E900] =	vst v63  }
0x109: {  	_ =	swait.ge [sflag:s15], $0x4000  }
0x10a: {  	[sflag:s15] =	ssyncset.done $0x0  }
0x10b: {  	s31 =	simm.s32 $0x100;
	[sflag:s15] =	ssyncadd.s32 $0xFFFFC000  }
0x10c: {  	[tilespmem:s18], [sflag:$0x1] =	stream.indirect.gather [hbm4b:s7+s17], $0x80, s31, s17, $0xb8;
	[tilespmem:$0x1E900] =	vst v63  }
0x10d: {  	v63 =	vld [tilespmem:s28+$0x1480];
	_ =	sdelay $0x4  }
0x10e: {  	[tilespmem:$0x2880] =	vst v63  }
0x10f: {  	v0 =	vld [tilespmem:s28+$0x1490];
	_ =	sdelay $0x4  }
0x110: {  	[tilespmem:$0x2890] =	vst v0  }
0x111: {  	v0 =	vld [tilespmem:s28+$0x14A0];
	_ =	sdelay $0x4  }
0x112: {  	[tilespmem:$0x28A0] =	vst v0  }
0x113: {  	v0 =	vld [tilespmem:s28+$0x14B0];
	_ =	sdelay $0x4  }
0x114: {  	[tilespmem:$0x28B0] =	vst v0  }
0x115: {  	v0 =	vld [tilespmem:s28+$0x14C0];
	_ =	sdelay $0x4  }
0x116: {  	[tilespmem:$0x28C0] =	vst v0  }
0x117: {  	v0 =	vld [tilespmem:s28+$0x14D0];
	_ =	sdelay $0x4  }
0x118: {  	[tilespmem:$0x28D0] =	vst v0  }
0x119: {  	v0 =	vld [tilespmem:s28+$0x14E0];
	_ =	sdelay $0x4  }
0x11a: {  	[tilespmem:$0x28E0] =	vst v0  }
0x11b: {  	v0 =	vld [tilespmem:s28+$0x14F0];
	_ =	sdelay $0x4  }
0x11c: {  	[tilespmem:$0x28F0] =	vst v0  }
0x11d: {  	_ =	swait.ge [sflag:s22], $0x4000  }
0x11e: {  	[sflag:s22] =	ssyncset.done $0x0  }
0x11f: {  	[sflag:s22] =	ssyncadd.s32 $0xFFFFC000  }
0x120: {  	[spmem:s1] =	stream.indirect.scatter.add.f32 [tilespmem:s19], [sflag:$0x3], $0x80, s23, s17, $0xb8;
	[tilespmem:$0x1E900] =	vst v63  }
0x121: {  	p1 =	por p2, p2;
	_ =	swait.ge [sflag:s15], $0x4000  }
0x122: {  	s29 =	simm.s32 $0x800;
	s25 =	simm.s32 $0x100;
	[sflag:s15] =	ssyncset.done $0x0  }
.LBB2_7:
0x123: {  	s30 =	sadd.s32 $0x80, s25  }
0x124: {  	[sflag:s15] =	ssyncadd.s32 $0xFFFFC000;
	s28 =	smov.u32 s29;
	s26 =	sadd.s32 $0x400, s29  }
0x125: {  	[tilespmem:s19], [sflag:$0x2] =	stream.indirect.gather [hbm4b:s7+s17], $0x80, s30, s17, $0xb8;
	[tilespmem:$0x1E900] =	vst v63  }
0x126: {  	p2 =	sne.s32 s29, $0x4800;
	v0 =	vld [tilespmem:s25+$0x1400];
	_ =	sdelay $0x4  }
0x127: {  	[tilespmem:$0x2800] =	vst v0  }
0x128: {  	v0 =	vld [tilespmem:s25+$0x1410];
	_ =	sdelay $0x4  }
0x129: {  	[tilespmem:$0x2810] =	vst v0  }
0x12a: {  	v0 =	vld [tilespmem:s25+$0x1420];
	_ =	sdelay $0x4  }
0x12b: {  	[tilespmem:$0x2820] =	vst v0  }
0x12c: {  	v0 =	vld [tilespmem:s25+$0x1430];
	_ =	sdelay $0x4  }
0x12d: {  	[tilespmem:$0x2830] =	vst v0  }
0x12e: {  	v0 =	vld [tilespmem:s25+$0x1440];
	_ =	sdelay $0x4  }
0x12f: {  	[tilespmem:$0x2840] =	vst v0  }
0x130: {  	v0 =	vld [tilespmem:s25+$0x1450];
	_ =	sdelay $0x4  }
0x131: {  	[tilespmem:$0x2850] =	vst v0  }
0x132: {  	v0 =	vld [tilespmem:s25+$0x1460];
	_ =	sdelay $0x4  }
0x133: {  	[tilespmem:$0x2860] =	vst v0  }
0x134: {  	v0 =	vld [tilespmem:s25+$0x1470];
	_ =	sdelay $0x4  }
0x135: {  	[tilespmem:$0x2870] =	vst v0  }
0x136: {  	_ =	swait.ge [sflag:s20], $0x4000  }
0x137: {  	[sflag:s20] =	ssyncset.done $0x0  }
0x138: {  	[sflag:s20] =	ssyncadd.s32 $0xFFFFC000  }
0x139: {  	[spmem:s1] =	stream.indirect.scatter.add.f32 [tilespmem:s18], [sflag:$0x3], $0x80, s21, s17, $0xb8;
	[tilespmem:$0x1E900] =	vst v63  }
0x13a: {  	_ =	swait.ge [sflag:s15], $0x4000  }
0x13b: {  	[sflag:s15] =	ssyncset.done $0x0  }
0x13c: {  	s29 =	sadd.s32 $0x100, s25;
	[sflag:s15] =	ssyncadd.s32 $0xFFFFC000  }
0x13d: {  	[tilespmem:s18], [sflag:$0x1] =	stream.indirect.gather [hbm4b:s7+s17], $0x80, s29, s17, $0xb8;
	[tilespmem:$0x1E900] =	vst v63  }
0x13e: {  	v0 =	vld [tilespmem:s25+$0x1480];
	_ =	sdelay $0x4  }
0x13f: {  	[tilespmem:$0x2880] =	vst v0  }
0x140: {  	v0 =	vld [tilespmem:s25+$0x1490];
	_ =	sdelay $0x4  }
0x141: {  	[tilespmem:$0x2890] =	vst v0  }
0x142: {  	v0 =	vld [tilespmem:s25+$0x14A0];
	_ =	sdelay $0x4  }
0x143: {  	[tilespmem:$0x28A0] =	vst v0  }
0x144: {  	v0 =	vld [tilespmem:s25+$0x14B0];
	_ =	sdelay $0x4  }
0x145: {  	[tilespmem:$0x28B0] =	vst v0  }
0x146: {  	v0 =	vld [tilespmem:s25+$0x14C0];
	_ =	sdelay $0x4  }
0x147: {  	[tilespmem:$0x28C0] =	vst v0  }
0x148: {  	v0 =	vld [tilespmem:s25+$0x14D0];
	_ =	sdelay $0x4  }
0x149: {  	[tilespmem:$0x28D0] =	vst v0  }
0x14a: {  	v0 =	vld [tilespmem:s25+$0x14E0];
	_ =	sdelay $0x4  }
0x14b: {  	[tilespmem:$0x28E0] =	vst v0  }
0x14c: {  	v0 =	vld [tilespmem:s25+$0x14F0];
	_ =	sdelay $0x4  }
0x14d: {  	[tilespmem:$0x28F0] =	vst v0  }
0x14e: {  	_ =	swait.ge [sflag:s22], $0x4000  }
.Ltmp6:
0x14f: {  	[sflag:s22] =	ssyncset.done $0x0;
	(pc) =	sbr.rel @p2 .LBB2_7-.Ltmp6, $4  }
0x150: {  	[sflag:s22] =	ssyncadd.s32 $0xFFFFC000  }
0x151: {  	[spmem:s1] =	stream.indirect.scatter.add.f32 [tilespmem:s19], [sflag:$0x3], $0x80, s23, s17, $0xb8;
	[tilespmem:$0x1E900] =	vst v63  }
0x152: {  	_ =	swait.ge [sflag:s15], $0x4000  }
0x153: {  	s29 =	smov.u32 s26;
	s25 =	sshra.s32 s28, $0x2;
	[sflag:s15] =	ssyncset.done $0x0  }
0x154: {  	s26 =	sadd.s32 $0x80, s25;
	[sflag:s15] =	ssyncadd.s32 $0xFFFFC000  }
0x155: {  	[tilespmem:s19], [sflag:$0x2] =	stream.indirect.gather [hbm4b:s7+s17], $0x80, s26, s17, $0xb8;
	[tilespmem:$0x1E900] =	vst v63  }
0x156: {  	v0 =	vld [tilespmem:s25+$0x1400];
	_ =	sdelay $0x4  }
0x157: {  	[tilespmem:$0x2800] =	vst v0  }
0x158: {  	v0 =	vld [tilespmem:s25+$0x1410];
	_ =	sdelay $0x4  }
0x159: {  	[tilespmem:$0x2810] =	vst v0  }
0x15a: {  	v0 =	vld [tilespmem:s25+$0x1420];
	_ =	sdelay $0x4  }
0x15b: {  	[tilespmem:$0x2820] =	vst v0  }
0x15c: {  	v0 =	vld [tilespmem:s25+$0x1430];
	_ =	sdelay $0x4  }
0x15d: {  	[tilespmem:$0x2830] =	vst v0  }
0x15e: {  	v0 =	vld [tilespmem:s25+$0x1440];
	_ =	sdelay $0x4  }
0x15f: {  	[tilespmem:$0x2840] =	vst v0  }
0x160: {  	v0 =	vld [tilespmem:s25+$0x1450];
	_ =	sdelay $0x4  }
0x161: {  	[tilespmem:$0x2850] =	vst v0  }
0x162: {  	v0 =	vld [tilespmem:s25+$0x1460];
	_ =	sdelay $0x4  }
0x163: {  	[tilespmem:$0x2860] =	vst v0  }
0x164: {  	v0 =	vld [tilespmem:s25+$0x1470];
	_ =	sdelay $0x4  }
0x165: {  	[tilespmem:$0x2870] =	vst v0  }
0x166: {  	_ =	swait.ge [sflag:s20], $0x4000  }
0x167: {  	[sflag:s20] =	ssyncset.done $0x0  }
0x168: {  	[sflag:s20] =	ssyncadd.s32 $0xFFFFC000  }
0x169: {  	[spmem:s1] =	stream.indirect.scatter.add.f32 [tilespmem:s18], [sflag:$0x3], $0x80, s21, s17, $0xb8;
	[tilespmem:$0x1E900] =	vst v63  }
0x16a: {  	_ =	swait.ge [sflag:s15], $0x4000  }
0x16b: {  	[sflag:s15] =	ssyncset.done $0x0  }
0x16c: {  	s31 =	sadd.s32 $0x100, s25;
	[sflag:s15] =	ssyncadd.s32 $0xFFFFC000  }
0x16d: {  	[tilespmem:s18], [sflag:$0x1] =	stream.indirect.gather [hbm4b:s7+s17], $0x80, s31, s17, $0xb8;
	[tilespmem:$0x1E900] =	vst v63  }
0x16e: {  	v51 =	vld [tilespmem:s25+$0x1480];
	_ =	sdelay $0x4  }
0x16f: {  	[tilespmem:$0x2880] =	vst v51  }
0x170: {  	v0 =	vld [tilespmem:s25+$0x1490];
	_ =	sdelay $0x4  }
0x171: {  	[tilespmem:$0x2890] =	vst v0  }
0x172: {  	v0 =	vld [tilespmem:s25+$0x14A0];
	_ =	sdelay $0x4  }
0x173: {  	[tilespmem:$0x28A0] =	vst v0  }
0x174: {  	v0 =	vld [tilespmem:s25+$0x14B0];
	_ =	sdelay $0x4  }
0x175: {  	[tilespmem:$0x28B0] =	vst v0  }
0x176: {  	v0 =	vld [tilespmem:s25+$0x14C0];
	_ =	sdelay $0x4  }
0x177: {  	[tilespmem:$0x28C0] =	vst v0  }
0x178: {  	v0 =	vld [tilespmem:s25+$0x14D0];
	_ =	sdelay $0x4  }
0x179: {  	[tilespmem:$0x28D0] =	vst v0  }
0x17a: {  	v0 =	vld [tilespmem:s25+$0x14E0];
	_ =	sdelay $0x4  }
0x17b: {  	[tilespmem:$0x28E0] =	vst v0  }
0x17c: {  	v0 =	vld [tilespmem:s25+$0x14F0];
	_ =	sdelay $0x4  }
0x17d: {  	[tilespmem:$0x28F0] =	vst v0  }
0x17e: {  	_ =	swait.ge [sflag:s22], $0x4000  }
0x17f: {  	[sflag:s22] =	ssyncset.done $0x0  }
0x180: {  	[sflag:s22] =	ssyncadd.s32 $0xFFFFC000  }
0x181: {  	[spmem:s1] =	stream.indirect.scatter.add.f32 [tilespmem:s19], [sflag:$0x3], $0x80, s23, s17, $0xb8;
	[tilespmem:$0x1E900] =	vst v63  }
0x182: {  	_ =	swait.ge [sflag:s15], $0x4000  }
0x183: {  	[sflag:s15] =	ssyncset.done $0x0  }
0x184: {  	[sflag:s15] =	ssyncadd.s32 $0xFFFFC000  }
0x185: {  	[tilespmem:s19], [sflag:$0x2] =	stream.indirect.gather [hbm4b:s7+s17], $0x80, s24, s17, $0xb8;
	[tilespmem:$0x1E900] =	vst v63  }
0x186: {  	v52 =	vld [tilespmem:$0x2700]  }
0x187: {  	v1 =	vld [tilespmem:$0x2710]  }
0x188: {  	v2 =	vld [tilespmem:$0x2720]  }
0x189: {  	v3 =	vld [tilespmem:$0x2730]  }
0x18a: {  	v4 =	vld [tilespmem:$0x2740]  }
0x18b: {  	v53 =	vld [tilespmem:$0x2750];
	[tilespmem:$0x2800] =	vst v52  }
0x18c: {  	v54 =	vld [tilespmem:$0x2760];
	[tilespmem:$0x2810] =	vst v1  }
0x18d: {  	v55 =	vld [tilespmem:$0x2770];
	[tilespmem:$0x2820] =	vst v2  }
0x18e: {  	[tilespmem:$0x2830] =	vst v3  }
0x18f: {  	[tilespmem:$0x2840] =	vst v4  }
0x190: {  	[tilespmem:$0x2850] =	vst v53  }
0x191: {  	[tilespmem:$0x2860] =	vst v54  }
0x192: {  	[tilespmem:$0x2870] =	vst v55  }
0x193: {  	_ =	swait.ge [sflag:s20], $0x4000  }
0x194: {  	[sflag:s20] =	ssyncset.done $0x0  }
0x195: {  	[sflag:s20] =	ssyncadd.s32 $0xFFFFC000  }
0x196: {  	[spmem:s1] =	stream.indirect.scatter.add.f32 [tilespmem:s18], [sflag:$0x3], $0x80, s21, s17, $0xb8;
	[tilespmem:$0x1E900] =	vst v63  }
0x197: {  	_ =	swait.ge [sflag:s15], $0x4000  }
0x198: {  	[sflag:s15] =	ssyncset.done $0x0  }
0x199: {  	[sflag:s15] =	ssyncadd.s32 $0xFFFFC000  }
0x19a: {  	v56 =	vld [tilespmem:$0x2780]  }
0x19b: {  	v57 =	vld [tilespmem:$0x2790]  }
0x19c: {  	v58 =	vld [tilespmem:$0x27A0]  }
0x19d: {  	v59 =	vld [tilespmem:$0x27B0]  }
0x19e: {  	v60 =	vld [tilespmem:$0x27C0]  }
0x19f: {  	v61 =	vld [tilespmem:$0x27D0];
	[tilespmem:$0x2880] =	vst v56  }
0x1a0: {  	v62 =	vld [tilespmem:$0x27E0];
	[tilespmem:$0x2890] =	vst v57  }
0x1a1: {  	v63 =	vld [tilespmem:$0x27F0];
	[tilespmem:$0x28A0] =	vst v58  }
0x1a2: {  	[tilespmem:$0x28B0] =	vst v59  }
0x1a3: {  	[tilespmem:$0x28C0] =	vst v60  }
0x1a4: {  	[tilespmem:$0x28D0] =	vst v61  }
0x1a5: {  	[tilespmem:$0x28E0] =	vst v62  }
0x1a6: {  	[tilespmem:$0x28F0] =	vst v63  }
0x1a7: {  	_ =	swait.ge [sflag:s22], $0x4000  }
0x1a8: {  	[sflag:s22] =	ssyncset.done $0x0  }
.Ltmp7:
0x1a9: {  	[sflag:s22] =	ssyncadd.s32 $0xFFFFC000;
	(pc) =	sbr.rel @p1 .LBB2_6-.Ltmp7, $4  }
0x1aa: {  	[spmem:s1] =	stream.indirect.scatter.add.f32 [tilespmem:s19], [sflag:$0x3], $0x80, s23, s17, $0xb8;
	[tilespmem:$0x1E900] =	vst v63  }
0x1ab: {  	_ =	swait.ge [sflag:s15], $0x4000  }
0x1ac: {  	[sflag:s15] =	ssyncset.done $0x0  }
0x1ad: {  	p2 =	por $0x0, $0x0;
	s26 =	simm.s32 $0x1400;
	[sflag:s15] =	ssyncadd.s32 $0xFFFFC000  }
.Ltmp8:
0x1ae: {  	(pc) =	sbr.rel .LBB2_10-.Ltmp8, $2  }
0x1af: {  	_ =	sdelay $0x2  }
0x1b0: {  	s25 =	smov.u32 s10  }
.LBB2_11:
0x1b1: {  	_ =	sfence.sel $0x180000  }
0x1b2: {  	[bflag:$0x0] =	sbarrier.arrive $0xFFFF  }
0x1b3: {  	p0 =	sne.s32 s4, $0x0;
	_ =	strace $0x9000004A  }
0x1b4: {  	s0 =	sadd.s32 @!p0 $0x100000, s0;
	[bflag:$0x2] =	sbarrier.arrive $0xFFFF  }
0x1b5: {  	[sflag:s0] =	ssyncadd.tile.s32 @!p0 $0x1;
	_ =	shalt  }
.Lfunc_end2:
_tile_overlayer_lowered:
.L_overlay_start_2:
0x1b6: {  	(tag) =	ssettag $0x2  }
0x1b7: {  	s0 =	rddreg [dreg:$0x0];
	s2 =	stileid.u32  }
0x1b8: {  	s1 =	rddreg [dreg:$0x1];
	p0 =	sne.s32 s2, $0x0  }
0x1b9: {  	s3 =	rddreg [dreg:$0x2];
	[bflag:$0x3] =	sbarrier.arrive $0xFFFF;
	s2 =	simm.s32 @!p0 $0x1C03  }
0x1ba: {  	[timem:s3], [sflag:s2] =	dma.local @!p0 [hbm:s0], s1  }
0x1bb: {  	s0 =	simm.s32 @!p0 $0x3  }
0x1bc: {  	_ =	swait.ge @!p0 [sflag:s0], s1  }
0x1bd: {  	s1 =	ssub.s32 @!p0 $0x0, s1;
	[sflag:s0] =	ssyncset.done @!p0 $0x0  }
0x1be: {  	[sflag:s0] =	ssyncadd.s32 @!p0 s1  }
0x1bf: {  	[bflag:$0x3] =	sbarrier.arrive $0xFFFF  }
0x1c0: {  	_ =	shalt  }

</sc_bundles>
